<compile_context>
chip_gen: v7x
topology: tpu7x:2x2x1
jax: 0.10.2.dev20260603
libtpu: 0.0.44.dev20260713+nightly
codegen_flags: <defaults>
</compile_context>

<pallas_src>
import functools

import jax
import jax.numpy as jnp
from jax import lax
from jax.experimental import pallas as pl
from jax.experimental.pallas import tpu as pltpu
from jax.experimental.pallas import tpu_sc as plsc

D = 128
HIST = 200
B = 4096
OUT = 512

_NC, _NS = 2, 16
NW = _NC * _NS
BPW = B // NW
LANES = 16
DB = D // LANES

CHUNKS = ((0, 64), (64, 64), (128, 72))

NBUF = 3


def _sc_pool_body(ids_hbm, table_hbm, pooled_hbm, idx_v, rows_v, out_v,
                  sems):
    wid = lax.axis_index("s") * _NC + lax.axis_index("c")
    base = wid * BPW
    pltpu.sync_copy(ids_hbm.at[pl.ds(base, BPW)], idx_v)

    def issue(b, buf):
        for off, n in CHUNKS:
            pltpu.async_copy(table_hbm.at[idx_v.at[b, pl.ds(off, n)]],
                             rows_v.at[buf, pl.ds(off, n)], sems[buf])

    def wait(buf):
        pltpu.make_async_copy(table_hbm.at[pl.ds(0, HIST)], rows_v.at[buf],
                              sems[buf]).wait()

    def accum(b, buf):
        def acc_body(r, carry):
            return tuple(carry[k] + rows_v[buf, r, pl.ds(k * LANES, LANES)]
                         for k in range(DB))
        init = tuple(jnp.zeros((LANES,), jnp.float32) for _ in range(DB))
        acc = lax.fori_loop(0, HIST, acc_body, init)
        for k in range(DB):
            out_v[b, pl.ds(k * LANES, LANES)] = acc[k]

    for j in range(NBUF):
        issue(j, j)

    NFULL = (BPW - NBUF) // NBUF

    def loop_body(i, carry):
        for j in range(NBUF):
            b = NBUF * i + j
            wait(j)
            accum(b, j)
            issue(b + NBUF, j)
        return carry

    lax.fori_loop(0, NFULL, loop_body, 0)
    for b in range(NFULL * NBUF, BPW):
        wait(b % NBUF)
        accum(b, b % NBUF)
        if b + NBUF < BPW:
            issue(b + NBUF, b % NBUF)
    pltpu.sync_copy(out_v, pooled_hbm.at[pl.ds(base, BPW)])


@functools.cache
def _sc_pool():
    return pl.kernel(
        _sc_pool_body,
        out_type=jax.ShapeDtypeStruct((B, D), jnp.float32),
        mesh=plsc.VectorSubcoreMesh(core_axis_name="c", subcore_axis_name="s",
                                    num_cores=_NC, num_subcores=_NS),
        scratch_types=[
            pltpu.VMEM((BPW, HIST), jnp.int32),
            pltpu.VMEM((NBUF, HIST, D), jnp.float32),
            pltpu.VMEM((BPW, D), jnp.float32),
            tuple(pltpu.SemaphoreType.DMA for _ in range(NBUF)),
        ],
    )


def _tc_fc_body(pooled_ref, w_ref, b_ref, out_ref):
    x = pooled_ref[...] * (1.0 / HIST)
    out_ref[...] = (
        jnp.dot(x, w_ref[...], preferred_element_type=jnp.float32,
                precision=lax.Precision.HIGHEST)
        + b_ref[...]
    )


_BM = 1024


def _tc_fc(pooled, fc_w, fc_b2):
    return pl.pallas_call(
        _tc_fc_body,
        out_shape=jax.ShapeDtypeStruct((B, OUT), jnp.float32),
        grid=(B // _BM,),
        in_specs=[
            pl.BlockSpec((_BM, D), lambda i: (i, 0)),
            pl.BlockSpec((D, OUT), lambda i: (0, 0)),
            pl.BlockSpec((1, OUT), lambda i: (0, 0)),
        ],
        out_specs=pl.BlockSpec((_BM, OUT), lambda i: (i, 0)),
    )(pooled, fc_w, fc_b2)


def kernel(input_ids, table, fc_w, fc_b):
    ids = input_ids.astype(jnp.int32)
    pooled = _sc_pool()(ids, table)
    return _tc_fc(pooled, fc_w, fc_b.reshape(1, OUT))

# --- scband reference (transcript-rebuilt; emitter-appended) ---
"""Pipeline reference for scband-text-encoder-82429012345267 (READ-ONLY COPY).

The authoritative reference and input builder live on the scoring server;
editing this copy changes nothing except your own understanding.
"""

import jax, jax.numpy as jnp
import numpy as np

VOCAB = 1000000
EMBED_DIM = 128
OUT_DIM = 512
BATCH = 4096
HIST = 200

def setup_inputs(seed: int = 0) -> dict:
    key = jax.random.key(seed)
    k1, k2, k3, k4 = jax.random.split(key, 4)
    input_ids = jax.random.randint(k1, (BATCH, HIST), 0, VOCAB, dtype=jnp.int64 if jax.config.jax_enable_x64 else jnp.int32)
    table = jax.random.normal(k2, (VOCAB, EMBED_DIM), dtype=jnp.float32)
    fc_w = jax.random.normal(k3, (EMBED_DIM, OUT_DIM), dtype=jnp.float32) * (1.0 / np.sqrt(EMBED_DIM))
    fc_b = jax.random.normal(k4, (OUT_DIM,), dtype=jnp.float32) * 0.01
    return {"input_ids": input_ids, "table": table, "fc_w": fc_w, "fc_b": fc_b}

def reference(input_ids, table, fc_w, fc_b):
    # embedding lookup (gather)
    embedded = jnp.take(table, input_ids, axis=0)  # [B, L, D]
    pooled = embedded.mean(axis=1)                  # [B, D]
    out = pooled @ fc_w + fc_b                      # [B, 512]
    return out

if __name__ == "__main__":
    import jax
    _d = setup_inputs()
    print(jax.jit(kernel)(*tuple(_d.values())))

</pallas_src>

<mosaic_0001>
#map = affine_map<(d0, d1) -> (0, 0)>
module attributes {stable_mosaic.version = 14 : i64} {
  func.func @_sc_pool_body(%arg0: i32, %arg1: i32, %arg2: memref<4096x200xi32, #tpu.memory_space<hbm>>, %arg3: memref<1000000x128xf32, #tpu.memory_space<hbm>>, %arg4: memref<4096x128xf32, #tpu.memory_space<hbm>>, %arg5: memref<128x200xi32, #tpu.memory_space<vmem>>, %arg6: memref<3x200x128xf32, #tpu.memory_space<vmem>>, %arg7: memref<128x128xf32, #tpu.memory_space<vmem>>, %arg8: memref<!tpu.dma_semaphore, #tpu.memory_space<semaphore_mem>>, %arg9: memref<!tpu.dma_semaphore, #tpu.memory_space<semaphore_mem>>, %arg10: memref<!tpu.dma_semaphore, #tpu.memory_space<semaphore_mem>>) attributes {dimension_semantics = [#tpu.dimension_semantics<core_parallel>, #tpu.dimension_semantics<subcore_parallel>], iteration_bounds = array<i64: 2, 16>, scalar_prefetch = 0 : i64, scratch_operands = 6 : i64, tpu.core_type = #tpu.core_type<sc_vector_subcore>, window_params = [{transform_indices = #map}, {transform_indices = #map}, {transform_indices = #map}]} {
    %mul3A = arith.constant 2 : i32
    %mul3A_0 = arith.muli %arg1, %mul3A : i32
    %add3A = arith.addi %mul3A_0, %arg0 : i32
    %mul3A_1 = arith.constant 128 : i32
    %mul3A_2 = arith.muli %add3A, %mul3A_1 : i32
    "tpu.region"() ({
      %run_scoped3A = tpu.sem_alloc : memref<!tpu.dma_semaphore, #tpu.memory_space<semaphore_mem>>
      %dma_start3A_609 = arith.constant 0 : i32
      %dma_start3A_610 = tpu.memref_slice %arg2[%mul3A_2, %dma_start3A_609] : memref<4096x200xi32, #tpu.memory_space<hbm>> -> memref<128x200xi32, #tpu.memory_space<hbm>>
      %dma_start3A_611 = arith.constant 0 : i32
      %dma_start3A_612 = tpu.memref_slice %arg2[%mul3A_2, %dma_start3A_611] : memref<4096x200xi32, #tpu.memory_space<hbm>> -> memref<128x200xi32, #tpu.memory_space<hbm>>
      tpu.enqueue_dma source(%dma_start3A_612 : memref<128x200xi32, #tpu.memory_space<hbm>>) target(%arg5 : memref<128x200xi32, #tpu.memory_space<vmem>>) target_semaphore(%run_scoped3A : memref<!tpu.dma_semaphore, #tpu.memory_space<semaphore_mem>>)
      %dma_wait3A_613 = arith.constant 0 : i32
      %dma_wait3A_614 = tpu.memref_slice %arg2[%mul3A_2, %dma_wait3A_613] : memref<4096x200xi32, #tpu.memory_space<hbm>> -> memref<128x200xi32, #tpu.memory_space<hbm>>
      %dma_wait3A_615 = arith.constant 0 : i32
      %dma_wait3A_616 = tpu.memref_slice %arg2[%mul3A_2, %dma_wait3A_615] : memref<4096x200xi32, #tpu.memory_space<hbm>> -> memref<128x200xi32, #tpu.memory_space<hbm>>
      tpu.wait_dma2 semaphore(%run_scoped3A : memref<!tpu.dma_semaphore, #tpu.memory_space<semaphore_mem>>) src(%dma_wait3A_616 : memref<128x200xi32, #tpu.memory_space<hbm>>) dst(%arg5 : memref<128x200xi32, #tpu.memory_space<vmem>>)
      tpu.yield
    }) : () -> ()
    %dma_start3A = arith.constant 0 : i32
    %dma_start3A_3 = arith.constant 0 : i32
    %dma_start3A_4 = arith.constant 0 : i32
    %dma_start3A_5 = arith.constant 0 : i32
    %dma_start3A_6 = tpu.memref_slice %arg6[%dma_start3A_3, %dma_start3A_4, %dma_start3A_5] : memref<3x200x128xf32, #tpu.memory_space<vmem>> -> memref<1x64x128xf32, #tpu.memory_space<vmem>>
    %dma_start3A_7 = tpu.memref_squeeze %dma_start3A_6 : memref<1x64x128xf32, #tpu.memory_space<vmem>> -> memref<64x128xf32, #tpu.memory_space<vmem>>
    %dma_start3A_8 = arith.constant 0 : i32
    %dma_start3A_9 = tpu.memref_slice %arg5[%dma_start3A, %dma_start3A_8] : memref<128x200xi32, #tpu.memory_space<vmem>> -> memref<1x64xi32, #tpu.memory_space<vmem>>
    %dma_start3A_10 = tpu.memref_squeeze %dma_start3A_9 : memref<1x64xi32, #tpu.memory_space<vmem>> -> memref<64xi32, #tpu.memory_space<vmem>>
    %dma_start3A_11 = arith.constant 0 : i32
    %dma_start3A_12 = arith.constant 0 : i32
    %dma_start3A_13 = tpu.memref_slice %arg3[%dma_start3A_11, %dma_start3A_12] : memref<1000000x128xf32, #tpu.memory_space<hbm>> -> memref<1000000x128xf32, #tpu.memory_space<hbm>>
    tpu.enqueue_indirect_dma source(%dma_start3A_13 : memref<1000000x128xf32, #tpu.memory_space<hbm>>) target(%dma_start3A_7 : memref<64x128xf32, #tpu.memory_space<vmem>>) offsets(%dma_start3A_10 : memref<64xi32, #tpu.memory_space<vmem>>) semaphore(%arg8 : memref<!tpu.dma_semaphore, #tpu.memory_space<semaphore_mem>>)
    %dma_start3A_14 = arith.constant 0 : i32
    %dma_start3A_15 = arith.constant 0 : i32
    %dma_start3A_16 = arith.constant 64 : i32
    %dma_start3A_17 = arith.constant 0 : i32
    %dma_start3A_18 = tpu.memref_slice %arg6[%dma_start3A_15, %dma_start3A_16, %dma_start3A_17] : memref<3x200x128xf32, #tpu.memory_space<vmem>> -> memref<1x64x128xf32, #tpu.memory_space<vmem>>
    %dma_start3A_19 = tpu.memref_squeeze %dma_start3A_18 : memref<1x64x128xf32, #tpu.memory_space<vmem>> -> memref<64x128xf32, #tpu.memory_space<vmem>>
    %dma_start3A_20 = arith.constant 64 : i32
    %dma_start3A_21 = tpu.memref_slice %arg5[%dma_start3A_14, %dma_start3A_20] : memref<128x200xi32, #tpu.memory_space<vmem>> -> memref<1x64xi32, #tpu.memory_space<vmem>>
    %dma_start3A_22 = tpu.memref_squeeze %dma_start3A_21 : memref<1x64xi32, #tpu.memory_space<vmem>> -> memref<64xi32, #tpu.memory_space<vmem>>
    %dma_start3A_23 = arith.constant 0 : i32
    %dma_start3A_24 = arith.constant 0 : i32
    %dma_start3A_25 = tpu.memref_slice %arg3[%dma_start3A_23, %dma_start3A_24] : memref<1000000x128xf32, #tpu.memory_space<hbm>> -> memref<1000000x128xf32, #tpu.memory_space<hbm>>
    tpu.enqueue_indirect_dma source(%dma_start3A_25 : memref<1000000x128xf32, #tpu.memory_space<hbm>>) target(%dma_start3A_19 : memref<64x128xf32, #tpu.memory_space<vmem>>) offsets(%dma_start3A_22 : memref<64xi32, #tpu.memory_space<vmem>>) semaphore(%arg8 : memref<!tpu.dma_semaphore, #tpu.memory_space<semaphore_mem>>)
    %dma_start3A_26 = arith.constant 0 : i32
    %dma_start3A_27 = arith.constant 0 : i32
    %dma_start3A_28 = arith.constant 128 : i32
    %dma_start3A_29 = arith.constant 0 : i32
    %dma_start3A_30 = tpu.memref_slice %arg6[%dma_start3A_27, %dma_start3A_28, %dma_start3A_29] : memref<3x200x128xf32, #tpu.memory_space<vmem>> -> memref<1x72x128xf32, #tpu.memory_space<vmem>>
    %dma_start3A_31 = tpu.memref_squeeze %dma_start3A_30 : memref<1x72x128xf32, #tpu.memory_space<vmem>> -> memref<72x128xf32, #tpu.memory_space<vmem>>
    %dma_start3A_32 = arith.constant 128 : i32
    %dma_start3A_33 = tpu.memref_slice %arg5[%dma_start3A_26, %dma_start3A_32] : memref<128x200xi32, #tpu.memory_space<vmem>> -> memref<1x72xi32, #tpu.memory_space<vmem>>
    %dma_start3A_34 = tpu.memref_squeeze %dma_start3A_33 : memref<1x72xi32, #tpu.memory_space<vmem>> -> memref<72xi32, #tpu.memory_space<vmem>>
    %dma_start3A_35 = arith.constant 0 : i32
    %dma_start3A_36 = arith.constant 0 : i32
    %dma_start3A_37 = tpu.memref_slice %arg3[%dma_start3A_35, %dma_start3A_36] : memref<1000000x128xf32, #tpu.memory_space<hbm>> -> memref<1000000x128xf32, #tpu.memory_space<hbm>>
    tpu.enqueue_indirect_dma source(%dma_start3A_37 : memref<1000000x128xf32, #tpu.memory_space<hbm>>) target(%dma_start3A_31 : memref<72x128xf32, #tpu.memory_space<vmem>>) offsets(%dma_start3A_34 : memref<72xi32, #tpu.memory_space<vmem>>) semaphore(%arg8 : memref<!tpu.dma_semaphore, #tpu.memory_space<semaphore_mem>>)
    %dma_start3A_38 = arith.constant 1 : i32
    %dma_start3A_39 = arith.constant 1 : i32
    %dma_start3A_40 = arith.constant 0 : i32
    %dma_start3A_41 = arith.constant 0 : i32
    %dma_start3A_42 = tpu.memref_slice %arg6[%dma_start3A_39, %dma_start3A_40, %dma_start3A_41] : memref<3x200x128xf32, #tpu.memory_space<vmem>> -> memref<1x64x128xf32, #tpu.memory_space<vmem>>
    %dma_start3A_43 = tpu.memref_squeeze %dma_start3A_42 : memref<1x64x128xf32, #tpu.memory_space<vmem>> -> memref<64x128xf32, #tpu.memory_space<vmem>>
    %dma_start3A_44 = arith.constant 0 : i32
    %dma_start3A_45 = tpu.memref_slice %arg5[%dma_start3A_38, %dma_start3A_44] : memref<128x200xi32, #tpu.memory_space<vmem>> -> memref<1x64xi32, #tpu.memory_space<vmem>>
    %dma_start3A_46 = tpu.memref_squeeze %dma_start3A_45 : memref<1x64xi32, #tpu.memory_space<vmem>> -> memref<64xi32, #tpu.memory_space<vmem>>
    %dma_start3A_47 = arith.constant 0 : i32
    %dma_start3A_48 = arith.constant 0 : i32
    %dma_start3A_49 = tpu.memref_slice %arg3[%dma_start3A_47, %dma_start3A_48] : memref<1000000x128xf32, #tpu.memory_space<hbm>> -> memref<1000000x128xf32, #tpu.memory_space<hbm>>
    tpu.enqueue_indirect_dma source(%dma_start3A_49 : memref<1000000x128xf32, #tpu.memory_space<hbm>>) target(%dma_start3A_43 : memref<64x128xf32, #tpu.memory_space<vmem>>) offsets(%dma_start3A_46 : memref<64xi32, #tpu.memory_space<vmem>>) semaphore(%arg9 : memref<!tpu.dma_semaphore, #tpu.memory_space<semaphore_mem>>)
    %dma_start3A_50 = arith.constant 1 : i32
    %dma_start3A_51 = arith.constant 1 : i32
    %dma_start3A_52 = arith.constant 64 : i32
    %dma_start3A_53 = arith.constant 0 : i32
    %dma_start3A_54 = tpu.memref_slice %arg6[%dma_start3A_51, %dma_start3A_52, %dma_start3A_53] : memref<3x200x128xf32, #tpu.memory_space<vmem>> -> memref<1x64x128xf32, #tpu.memory_space<vmem>>
    %dma_start3A_55 = tpu.memref_squeeze %dma_start3A_54 : memref<1x64x128xf32, #tpu.memory_space<vmem>> -> memref<64x128xf32, #tpu.memory_space<vmem>>
    %dma_start3A_56 = arith.constant 64 : i32
    %dma_start3A_57 = tpu.memref_slice %arg5[%dma_start3A_50, %dma_start3A_56] : memref<128x200xi32, #tpu.memory_space<vmem>> -> memref<1x64xi32, #tpu.memory_space<vmem>>
    %dma_start3A_58 = tpu.memref_squeeze %dma_start3A_57 : memref<1x64xi32, #tpu.memory_space<vmem>> -> memref<64xi32, #tpu.memory_space<vmem>>
    %dma_start3A_59 = arith.constant 0 : i32
    %dma_start3A_60 = arith.constant 0 : i32
    %dma_start3A_61 = tpu.memref_slice %arg3[%dma_start3A_59, %dma_start3A_60] : memref<1000000x128xf32, #tpu.memory_space<hbm>> -> memref<1000000x128xf32, #tpu.memory_space<hbm>>
    tpu.enqueue_indirect_dma source(%dma_start3A_61 : memref<1000000x128xf32, #tpu.memory_space<hbm>>) target(%dma_start3A_55 : memref<64x128xf32, #tpu.memory_space<vmem>>) offsets(%dma_start3A_58 : memref<64xi32, #tpu.memory_space<vmem>>) semaphore(%arg9 : memref<!tpu.dma_semaphore, #tpu.memory_space<semaphore_mem>>)
    %dma_start3A_62 = arith.constant 1 : i32
    %dma_start3A_63 = arith.constant 1 : i32
    %dma_start3A_64 = arith.constant 128 : i32
    %dma_start3A_65 = arith.constant 0 : i32
    %dma_start3A_66 = tpu.memref_slice %arg6[%dma_start3A_63, %dma_start3A_64, %dma_start3A_65] : memref<3x200x128xf32, #tpu.memory_space<vmem>> -> memref<1x72x128xf32, #tpu.memory_space<vmem>>
    %dma_start3A_67 = tpu.memref_squeeze %dma_start3A_66 : memref<1x72x128xf32, #tpu.memory_space<vmem>> -> memref<72x128xf32, #tpu.memory_space<vmem>>
    %dma_start3A_68 = arith.constant 128 : i32
    %dma_start3A_69 = tpu.memref_slice %arg5[%dma_start3A_62, %dma_start3A_68] : memref<128x200xi32, #tpu.memory_space<vmem>> -> memref<1x72xi32, #tpu.memory_space<vmem>>
    %dma_start3A_70 = tpu.memref_squeeze %dma_start3A_69 : memref<1x72xi32, #tpu.memory_space<vmem>> -> memref<72xi32, #tpu.memory_space<vmem>>
    %dma_start3A_71 = arith.constant 0 : i32
    %dma_start3A_72 = arith.constant 0 : i32
    %dma_start3A_73 = tpu.memref_slice %arg3[%dma_start3A_71, %dma_start3A_72] : memref<1000000x128xf32, #tpu.memory_space<hbm>> -> memref<1000000x128xf32, #tpu.memory_space<hbm>>
    tpu.enqueue_indirect_dma source(%dma_start3A_73 : memref<1000000x128xf32, #tpu.memory_space<hbm>>) target(%dma_start3A_67 : memref<72x128xf32, #tpu.memory_space<vmem>>) offsets(%dma_start3A_70 : memref<72xi32, #tpu.memory_space<vmem>>) semaphore(%arg9 : memref<!tpu.dma_semaphore, #tpu.memory_space<semaphore_mem>>)
    %dma_start3A_74 = arith.constant 2 : i32
    %dma_start3A_75 = arith.constant 2 : i32
    %dma_start3A_76 = arith.constant 0 : i32
    %dma_start3A_77 = arith.constant 0 : i32
    %dma_start3A_78 = tpu.memref_slice %arg6[%dma_start3A_75, %dma_start3A_76, %dma_start3A_77] : memref<3x200x128xf32, #tpu.memory_space<vmem>> -> memref<1x64x128xf32, #tpu.memory_space<vmem>>
    %dma_start3A_79 = tpu.memref_squeeze %dma_start3A_78 : memref<1x64x128xf32, #tpu.memory_space<vmem>> -> memref<64x128xf32, #tpu.memory_space<vmem>>
    %dma_start3A_80 = arith.constant 0 : i32
    %dma_start3A_81 = tpu.memref_slice %arg5[%dma_start3A_74, %dma_start3A_80] : memref<128x200xi32, #tpu.memory_space<vmem>> -> memref<1x64xi32, #tpu.memory_space<vmem>>
    %dma_start3A_82 = tpu.memref_squeeze %dma_start3A_81 : memref<1x64xi32, #tpu.memory_space<vmem>> -> memref<64xi32, #tpu.memory_space<vmem>>
    %dma_start3A_83 = arith.constant 0 : i32
    %dma_start3A_84 = arith.constant 0 : i32
    %dma_start3A_85 = tpu.memref_slice %arg3[%dma_start3A_83, %dma_start3A_84] : memref<1000000x128xf32, #tpu.memory_space<hbm>> -> memref<1000000x128xf32, #tpu.memory_space<hbm>>
    tpu.enqueue_indirect_dma source(%dma_start3A_85 : memref<1000000x128xf32, #tpu.memory_space<hbm>>) target(%dma_start3A_79 : memref<64x128xf32, #tpu.memory_space<vmem>>) offsets(%dma_start3A_82 : memref<64xi32, #tpu.memory_space<vmem>>) semaphore(%arg10 : memref<!tpu.dma_semaphore, #tpu.memory_space<semaphore_mem>>)
    %dma_start3A_86 = arith.constant 2 : i32
    %dma_start3A_87 = arith.constant 2 : i32
    %dma_start3A_88 = arith.constant 64 : i32
    %dma_start3A_89 = arith.constant 0 : i32
    %dma_start3A_90 = tpu.memref_slice %arg6[%dma_start3A_87, %dma_start3A_88, %dma_start3A_89] : memref<3x200x128xf32, #tpu.memory_space<vmem>> -> memref<1x64x128xf32, #tpu.memory_space<vmem>>
    %dma_start3A_91 = tpu.memref_squeeze %dma_start3A_90 : memref<1x64x128xf32, #tpu.memory_space<vmem>> -> memref<64x128xf32, #tpu.memory_space<vmem>>
    %dma_start3A_92 = arith.constant 64 : i32
    %dma_start3A_93 = tpu.memref_slice %arg5[%dma_start3A_86, %dma_start3A_92] : memref<128x200xi32, #tpu.memory_space<vmem>> -> memref<1x64xi32, #tpu.memory_space<vmem>>
    %dma_start3A_94 = tpu.memref_squeeze %dma_start3A_93 : memref<1x64xi32, #tpu.memory_space<vmem>> -> memref<64xi32, #tpu.memory_space<vmem>>
    %dma_start3A_95 = arith.constant 0 : i32
    %dma_start3A_96 = arith.constant 0 : i32
    %dma_start3A_97 = tpu.memref_slice %arg3[%dma_start3A_95, %dma_start3A_96] : memref<1000000x128xf32, #tpu.memory_space<hbm>> -> memref<1000000x128xf32, #tpu.memory_space<hbm>>
    tpu.enqueue_indirect_dma source(%dma_start3A_97 : memref<1000000x128xf32, #tpu.memory_space<hbm>>) target(%dma_start3A_91 : memref<64x128xf32, #tpu.memory_space<vmem>>) offsets(%dma_start3A_94 : memref<64xi32, #tpu.memory_space<vmem>>) semaphore(%arg10 : memref<!tpu.dma_semaphore, #tpu.memory_space<semaphore_mem>>)
    %dma_start3A_98 = arith.constant 2 : i32
    %dma_start3A_99 = arith.constant 2 : i32
    %dma_start3A_100 = arith.constant 128 : i32
    %dma_start3A_101 = arith.constant 0 : i32
    %dma_start3A_102 = tpu.memref_slice %arg6[%dma_start3A_99, %dma_start3A_100, %dma_start3A_101] : memref<3x200x128xf32, #tpu.memory_space<vmem>> -> memref<1x72x128xf32, #tpu.memory_space<vmem>>
    %dma_start3A_103 = tpu.memref_squeeze %dma_start3A_102 : memref<1x72x128xf32, #tpu.memory_space<vmem>> -> memref<72x128xf32, #tpu.memory_space<vmem>>
    %dma_start3A_104 = arith.constant 128 : i32
    %dma_start3A_105 = tpu.memref_slice %arg5[%dma_start3A_98, %dma_start3A_104] : memref<128x200xi32, #tpu.memory_space<vmem>> -> memref<1x72xi32, #tpu.memory_space<vmem>>
    %dma_start3A_106 = tpu.memref_squeeze %dma_start3A_105 : memref<1x72xi32, #tpu.memory_space<vmem>> -> memref<72xi32, #tpu.memory_space<vmem>>
    %dma_start3A_107 = arith.constant 0 : i32
    %dma_start3A_108 = arith.constant 0 : i32
    %dma_start3A_109 = tpu.memref_slice %arg3[%dma_start3A_107, %dma_start3A_108] : memref<1000000x128xf32, #tpu.memory_space<hbm>> -> memref<1000000x128xf32, #tpu.memory_space<hbm>>
    tpu.enqueue_indirect_dma source(%dma_start3A_109 : memref<1000000x128xf32, #tpu.memory_space<hbm>>) target(%dma_start3A_103 : memref<72x128xf32, #tpu.memory_space<vmem>>) offsets(%dma_start3A_106 : memref<72xi32, #tpu.memory_space<vmem>>) semaphore(%arg10 : memref<!tpu.dma_semaphore, #tpu.memory_space<semaphore_mem>>)
    %scan3A = arith.constant 0 : i32
    %scan3A_110 = arith.constant 0 : i32
    %scan3A_111 = arith.constant 41 : i32
    %scan3A_112 = arith.addi %scan3A_110, %scan3A_111 : i32
    %scan3A_113 = arith.constant 1 : i32
    scf.for %scan3A_609 = %scan3A_110 to %scan3A_112 step %scan3A_113  : i32 {
      %mul3A_610 = arith.constant 3 : i32
      %mul3A_611 = arith.muli %mul3A_610, %scan3A_609 : i32
      %add3A_612 = arith.constant 0 : i32
      %add3A_613 = arith.addi %mul3A_611, %add3A_612 : i32
      %dma_wait3A_614 = arith.constant 0 : i32
      %dma_wait3A_615 = arith.constant 0 : i32
      %dma_wait3A_616 = arith.constant 0 : i32
      %dma_wait3A_617 = tpu.memref_slice %arg6[%dma_wait3A_614, %dma_wait3A_615, %dma_wait3A_616] : memref<3x200x128xf32, #tpu.memory_space<vmem>> -> memref<1x200x128xf32, #tpu.memory_space<vmem>>
      %dma_wait3A_618 = tpu.memref_squeeze %dma_wait3A_617 : memref<1x200x128xf32, #tpu.memory_space<vmem>> -> memref<200x128xf32, #tpu.memory_space<vmem>>
      %dma_wait3A_619 = arith.constant 0 : i32
      %dma_wait3A_620 = arith.constant 0 : i32
      %dma_wait3A_621 = tpu.memref_slice %arg3[%dma_wait3A_619, %dma_wait3A_620] : memref<1000000x128xf32, #tpu.memory_space<hbm>> -> memref<200x128xf32, #tpu.memory_space<hbm>>
      %dma_wait3A_622 = arith.constant 0 : i32
      %dma_wait3A_623 = arith.constant 0 : i32
      %dma_wait3A_624 = tpu.memref_slice %arg6[%dma_wait3A_614, %dma_wait3A_622, %dma_wait3A_623] : memref<3x200x128xf32, #tpu.memory_space<vmem>> -> memref<1x200x128xf32, #tpu.memory_space<vmem>>
      %dma_wait3A_625 = tpu.memref_squeeze %dma_wait3A_624 : memref<1x200x128xf32, #tpu.memory_space<vmem>> -> memref<200x128xf32, #tpu.memory_space<vmem>>
      %dma_wait3A_626 = arith.constant 0 : i32
      %dma_wait3A_627 = arith.constant 0 : i32
      %dma_wait3A_628 = tpu.memref_slice %arg3[%dma_wait3A_626, %dma_wait3A_627] : memref<1000000x128xf32, #tpu.memory_space<hbm>> -> memref<200x128xf32, #tpu.memory_space<hbm>>
      tpu.wait_dma2 semaphore(%arg8 : memref<!tpu.dma_semaphore, #tpu.memory_space<semaphore_mem>>) src(%dma_wait3A_628 : memref<200x128xf32, #tpu.memory_space<hbm>>) dst(%dma_wait3A_625 : memref<200x128xf32, #tpu.memory_space<vmem>>)
      %broadcast_in_dim3A_629 = arith.constant 0.000000e+00 : f32
      %broadcast_in_dim3A_630 = vector.broadcast %broadcast_in_dim3A_629 : f32 to vector<16xf32>
      %broadcast_in_dim3A_631 = arith.constant 0.000000e+00 : f32
      %broadcast_in_dim3A_632 = vector.broadcast %broadcast_in_dim3A_631 : f32 to vector<16xf32>
      %broadcast_in_dim3A_633 = arith.constant 0.000000e+00 : f32
      %broadcast_in_dim3A_634 = vector.broadcast %broadcast_in_dim3A_633 : f32 to vector<16xf32>
      %broadcast_in_dim3A_635 = arith.constant 0.000000e+00 : f32
      %broadcast_in_dim3A_636 = vector.broadcast %broadcast_in_dim3A_635 : f32 to vector<16xf32>
      %broadcast_in_dim3A_637 = arith.constant 0.000000e+00 : f32
      %broadcast_in_dim3A_638 = vector.broadcast %broadcast_in_dim3A_637 : f32 to vector<16xf32>
      %broadcast_in_dim3A_639 = arith.constant 0.000000e+00 : f32
      %broadcast_in_dim3A_640 = vector.broadcast %broadcast_in_dim3A_639 : f32 to vector<16xf32>
      %broadcast_in_dim3A_641 = arith.constant 0.000000e+00 : f32
      %broadcast_in_dim3A_642 = vector.broadcast %broadcast_in_dim3A_641 : f32 to vector<16xf32>
      %broadcast_in_dim3A_643 = arith.constant 0.000000e+00 : f32
      %broadcast_in_dim3A_644 = vector.broadcast %broadcast_in_dim3A_643 : f32 to vector<16xf32>
      %scan3A_645 = arith.constant 0 : i32
      %scan3A_646 = arith.constant 200 : i32
      %scan3A_647 = arith.addi %scan3A_645, %scan3A_646 : i32
      %scan3A_648 = arith.constant 1 : i32
      %scan3A_649:8 = scf.for %scan3A_958 = %scan3A_645 to %scan3A_647 step %scan3A_648 iter_args(%scan3A_959 = %broadcast_in_dim3A_630, %scan3A_960 = %broadcast_in_dim3A_632, %scan3A_961 = %broadcast_in_dim3A_634, %scan3A_962 = %broadcast_in_dim3A_636, %scan3A_963 = %broadcast_in_dim3A_638, %scan3A_964 = %broadcast_in_dim3A_640, %scan3A_965 = %broadcast_in_dim3A_642, %scan3A_966 = %broadcast_in_dim3A_644) -> (vector<16xf32>, vector<16xf32>, vector<16xf32>, vector<16xf32>, vector<16xf32>, vector<16xf32>, vector<16xf32>, vector<16xf32>)  : i32 {
        %get3A = arith.constant 0 : i32
        %get3A_967 = arith.index_cast %get3A : i32 to index
        %get3A_968 = arith.index_cast %scan3A_958 : i32 to index
        %get3A_969 = arith.constant 0 : index
        %get3A_970 = tpu.vector_load %arg6[%get3A_967, %get3A_968, %get3A_969] {strides = array<i32>} : memref<3x200x128xf32, #tpu.memory_space<vmem>>, vector<1x1x16xf32>,
        %get3A_971 = vector.shape_cast %get3A_970 : vector<1x1x16xf32> to vector<16xf32>
        %add3A_972 = arith.addf %scan3A_959, %get3A_971 : vector<16xf32>
        %get3A_973 = arith.constant 0 : i32
        %get3A_974 = arith.index_cast %get3A_973 : i32 to index
        %get3A_975 = arith.index_cast %scan3A_958 : i32 to index
        %get3A_976 = arith.constant 16 : index
        %get3A_977 = tpu.vector_load %arg6[%get3A_974, %get3A_975, %get3A_976] {strides = array<i32>} : memref<3x200x128xf32, #tpu.memory_space<vmem>>, vector<1x1x16xf32>,
        %get3A_978 = vector.shape_cast %get3A_977 : vector<1x1x16xf32> to vector<16xf32>
        %add3A_979 = arith.addf %scan3A_960, %get3A_978 : vector<16xf32>
        %get3A_980 = arith.constant 0 : i32
        %get3A_981 = arith.index_cast %get3A_980 : i32 to index
        %get3A_982 = arith.index_cast %scan3A_958 : i32 to index
        %get3A_983 = arith.constant 32 : index
        %get3A_984 = tpu.vector_load %arg6[%get3A_981, %get3A_982, %get3A_983] {strides = array<i32>} : memref<3x200x128xf32, #tpu.memory_space<vmem>>, vector<1x1x16xf32>,
        %get3A_985 = vector.shape_cast %get3A_984 : vector<1x1x16xf32> to vector<16xf32>
        %add3A_986 = arith.addf %scan3A_961, %get3A_985 : vector<16xf32>
        %get3A_987 = arith.constant 0 : i32
        %get3A_988 = arith.index_cast %get3A_987 : i32 to index
        %get3A_989 = arith.index_cast %scan3A_958 : i32 to index
        %get3A_990 = arith.constant 48 : index
        %get3A_991 = tpu.vector_load %arg6[%get3A_988, %get3A_989, %get3A_990] {strides = array<i32>} : memref<3x200x128xf32, #tpu.memory_space<vmem>>, vector<1x1x16xf32>,
        %get3A_992 = vector.shape_cast %get3A_991 : vector<1x1x16xf32> to vector<16xf32>
        %add3A_993 = arith.addf %scan3A_962, %get3A_992 : vector<16xf32>
        %get3A_994 = arith.constant 0 : i32
        %get3A_995 = arith.index_cast %get3A_994 : i32 to index
        %get3A_996 = arith.index_cast %scan3A_958 : i32 to index
        %get3A_997 = arith.constant 64 : index
        %get3A_998 = tpu.vector_load %arg6[%get3A_995, %get3A_996, %get3A_997] {strides = array<i32>} : memref<3x200x128xf32, #tpu.memory_space<vmem>>, vector<1x1x16xf32>,
        %get3A_999 = vector.shape_cast %get3A_998 : vector<1x1x16xf32> to vector<16xf32>
        %add3A_1000 = arith.addf %scan3A_963, %get3A_999 : vector<16xf32>
        %get3A_1001 = arith.constant 0 : i32
        %get3A_1002 = arith.index_cast %get3A_1001 : i32 to index
        %get3A_1003 = arith.index_cast %scan3A_958 : i32 to index
        %get3A_1004 = arith.constant 80 : index
        %get3A_1005 = tpu.vector_load %arg6[%get3A_1002, %get3A_1003, %get3A_1004] {strides = array<i32>} : memref<3x200x128xf32, #tpu.memory_space<vmem>>, vector<1x1x16xf32>,
        %get3A_1006 = vector.shape_cast %get3A_1005 : vector<1x1x16xf32> to vector<16xf32>
        %add3A_1007 = arith.addf %scan3A_964, %get3A_1006 : vector<16xf32>
        %get3A_1008 = arith.constant 0 : i32
        %get3A_1009 = arith.index_cast %get3A_1008 : i32 to index
        %get3A_1010 = arith.index_cast %scan3A_958 : i32 to index
        %get3A_1011 = arith.constant 96 : index
        %get3A_1012 = tpu.vector_load %arg6[%get3A_1009, %get3A_1010, %get3A_1011] {strides = array<i32>} : memref<3x200x128xf32, #tpu.memory_space<vmem>>, vector<1x1x16xf32>,
        %get3A_1013 = vector.shape_cast %get3A_1012 : vector<1x1x16xf32> to vector<16xf32>
        %add3A_1014 = arith.addf %scan3A_965, %get3A_1013 : vector<16xf32>
        %get3A_1015 = arith.constant 0 : i32
        %get3A_1016 = arith.index_cast %get3A_1015 : i32 to index
        %get3A_1017 = arith.index_cast %scan3A_958 : i32 to index
        %get3A_1018 = arith.constant 112 : index
        %get3A_1019 = tpu.vector_load %arg6[%get3A_1016, %get3A_1017, %get3A_1018] {strides = array<i32>} : memref<3x200x128xf32, #tpu.memory_space<vmem>>, vector<1x1x16xf32>,
        %get3A_1020 = vector.shape_cast %get3A_1019 : vector<1x1x16xf32> to vector<16xf32>
        %add3A_1021 = arith.addf %scan3A_966, %get3A_1020 : vector<16xf32>
        scf.yield %add3A_972, %add3A_979, %add3A_986, %add3A_993, %add3A_1000, %add3A_1007, %add3A_1014, %add3A_1021 : vector<16xf32>, vector<16xf32>, vector<16xf32>, vector<16xf32>, vector<16xf32>, vector<16xf32>, vector<16xf32>, vector<16xf32>
      }
      %scan3A_650 = arith.constant 200 : i32
      %swap3A_651 = arith.index_cast %add3A_613 : i32 to index
      %swap3A_652 = arith.constant 0 : index
      %swap3A_653 = tpu.vector_load %arg7[%swap3A_651, %swap3A_652] {strides = array<i32>} : memref<128x128xf32, #tpu.memory_space<vmem>>, vector<1x16xf32>,
      %swap3A_654 = vector.shape_cast %swap3A_653 : vector<1x16xf32> to vector<16xf32>
      %swap3A_655 = vector.shape_cast %scan3A_649#0 : vector<16xf32> to vector<1x16xf32>
      tpu.vector_store %arg7[%swap3A_651, %swap3A_652], %swap3A_655 {strides = array<i32>} : memref<128x128xf32, #tpu.memory_space<vmem>>, vector<1x16xf32>,
      %swap3A_656 = arith.index_cast %add3A_613 : i32 to index
      %swap3A_657 = arith.constant 16 : index
      %swap3A_658 = tpu.vector_load %arg7[%swap3A_656, %swap3A_657] {strides = array<i32>} : memref<128x128xf32, #tpu.memory_space<vmem>>, vector<1x16xf32>,
      %swap3A_659 = vector.shape_cast %swap3A_658 : vector<1x16xf32> to vector<16xf32>
      %swap3A_660 = vector.shape_cast %scan3A_649#1 : vector<16xf32> to vector<1x16xf32>
      tpu.vector_store %arg7[%swap3A_656, %swap3A_657], %swap3A_660 {strides = array<i32>} : memref<128x128xf32, #tpu.memory_space<vmem>>, vector<1x16xf32>,
      %swap3A_661 = arith.index_cast %add3A_613 : i32 to index
      %swap3A_662 = arith.constant 32 : index
      %swap3A_663 = tpu.vector_load %arg7[%swap3A_661, %swap3A_662] {strides = array<i32>} : memref<128x128xf32, #tpu.memory_space<vmem>>, vector<1x16xf32>,
      %swap3A_664 = vector.shape_cast %swap3A_663 : vector<1x16xf32> to vector<16xf32>
      %swap3A_665 = vector.shape_cast %scan3A_649#2 : vector<16xf32> to vector<1x16xf32>
      tpu.vector_store %arg7[%swap3A_661, %swap3A_662], %swap3A_665 {strides = array<i32>} : memref<128x128xf32, #tpu.memory_space<vmem>>, vector<1x16xf32>,
      %swap3A_666 = arith.index_cast %add3A_613 : i32 to index
      %swap3A_667 = arith.constant 48 : index
      %swap3A_668 = tpu.vector_load %arg7[%swap3A_666, %swap3A_667] {strides = array<i32>} : memref<128x128xf32, #tpu.memory_space<vmem>>, vector<1x16xf32>,
      %swap3A_669 = vector.shape_cast %swap3A_668 : vector<1x16xf32> to vector<16xf32>
      %swap3A_670 = vector.shape_cast %scan3A_649#3 : vector<16xf32> to vector<1x16xf32>
      tpu.vector_store %arg7[%swap3A_666, %swap3A_667], %swap3A_670 {strides = array<i32>} : memref<128x128xf32, #tpu.memory_space<vmem>>, vector<1x16xf32>,
      %swap3A_671 = arith.index_cast %add3A_613 : i32 to index
      %swap3A_672 = arith.constant 64 : index
      %swap3A_673 = tpu.vector_load %arg7[%swap3A_671, %swap3A_672] {strides = array<i32>} : memref<128x128xf32, #tpu.memory_space<vmem>>, vector<1x16xf32>,
      %swap3A_674 = vector.shape_cast %swap3A_673 : vector<1x16xf32> to vector<16xf32>
      %swap3A_675 = vector.shape_cast %scan3A_649#4 : vector<16xf32> to vector<1x16xf32>
      tpu.vector_store %arg7[%swap3A_671, %swap3A_672], %swap3A_675 {strides = array<i32>} : memref<128x128xf32, #tpu.memory_space<vmem>>, vector<1x16xf32>,
      %swap3A_676 = arith.index_cast %add3A_613 : i32 to index
      %swap3A_677 = arith.constant 80 : index
      %swap3A_678 = tpu.vector_load %arg7[%swap3A_676, %swap3A_677] {strides = array<i32>} : memref<128x128xf32, #tpu.memory_space<vmem>>, vector<1x16xf32>,
      %swap3A_679 = vector.shape_cast %swap3A_678 : vector<1x16xf32> to vector<16xf32>
      %swap3A_680 = vector.shape_cast %scan3A_649#5 : vector<16xf32> to vector<1x16xf32>
      tpu.vector_store %arg7[%swap3A_676, %swap3A_677], %swap3A_680 {strides = array<i32>} : memref<128x128xf32, #tpu.memory_space<vmem>>, vector<1x16xf32>,
      %swap3A_681 = arith.index_cast %add3A_613 : i32 to index
      %swap3A_682 = arith.constant 96 : index
      %swap3A_683 = tpu.vector_load %arg7[%swap3A_681, %swap3A_682] {strides = array<i32>} : memref<128x128xf32, #tpu.memory_space<vmem>>, vector<1x16xf32>,
      %swap3A_684 = vector.shape_cast %swap3A_683 : vector<1x16xf32> to vector<16xf32>
      %swap3A_685 = vector.shape_cast %scan3A_649#6 : vector<16xf32> to vector<1x16xf32>
      tpu.vector_store %arg7[%swap3A_681, %swap3A_682], %swap3A_685 {strides = array<i32>} : memref<128x128xf32, #tpu.memory_space<vmem>>, vector<1x16xf32>,
      %swap3A_686 = arith.index_cast %add3A_613 : i32 to index
      %swap3A_687 = arith.constant 112 : index
      %swap3A_688 = tpu.vector_load %arg7[%swap3A_686, %swap3A_687] {strides = array<i32>} : memref<128x128xf32, #tpu.memory_space<vmem>>, vector<1x16xf32>,
      %swap3A_689 = vector.shape_cast %swap3A_688 : vector<1x16xf32> to vector<16xf32>
      %swap3A_690 = vector.shape_cast %scan3A_649#7 : vector<16xf32> to vector<1x16xf32>
      tpu.vector_store %arg7[%swap3A_686, %swap3A_687], %swap3A_690 {strides = array<i32>} : memref<128x128xf32, #tpu.memory_space<vmem>>, vector<1x16xf32>,
      %add3A_691 = arith.constant 3 : i32
      %add3A_692 = arith.addi %add3A_613, %add3A_691 : i32
      %dma_start3A_693 = arith.constant 0 : i32
      %dma_start3A_694 = arith.constant 0 : i32
      %dma_start3A_695 = arith.constant 0 : i32
      %dma_start3A_696 = tpu.memref_slice %arg6[%dma_start3A_693, %dma_start3A_694, %dma_start3A_695] : memref<3x200x128xf32, #tpu.memory_space<vmem>> -> memref<1x64x128xf32, #tpu.memory_space<vmem>>
      %dma_start3A_697 = tpu.memref_squeeze %dma_start3A_696 : memref<1x64x128xf32, #tpu.memory_space<vmem>> -> memref<64x128xf32, #tpu.memory_space<vmem>>
      %dma_start3A_698 = arith.constant 0 : i32
      %dma_start3A_699 = tpu.memref_slice %arg5[%add3A_692, %dma_start3A_698] : memref<128x200xi32, #tpu.memory_space<vmem>> -> memref<1x64xi32, #tpu.memory_space<vmem>>
      %dma_start3A_700 = tpu.memref_squeeze %dma_start3A_699 : memref<1x64xi32, #tpu.memory_space<vmem>> -> memref<64xi32, #tpu.memory_space<vmem>>
      %dma_start3A_701 = arith.constant 0 : i32
      %dma_start3A_702 = arith.constant 0 : i32
      %dma_start3A_703 = tpu.memref_slice %arg3[%dma_start3A_701, %dma_start3A_702] : memref<1000000x128xf32, #tpu.memory_space<hbm>> -> memref<1000000x128xf32, #tpu.memory_space<hbm>>
      tpu.enqueue_indirect_dma source(%dma_start3A_703 : memref<1000000x128xf32, #tpu.memory_space<hbm>>) target(%dma_start3A_697 : memref<64x128xf32, #tpu.memory_space<vmem>>) offsets(%dma_start3A_700 : memref<64xi32, #tpu.memory_space<vmem>>) semaphore(%arg8 : memref<!tpu.dma_semaphore, #tpu.memory_space<semaphore_mem>>)
      %dma_start3A_704 = arith.constant 0 : i32
      %dma_start3A_705 = arith.constant 64 : i32
      %dma_start3A_706 = arith.constant 0 : i32
      %dma_start3A_707 = tpu.memref_slice %arg6[%dma_start3A_704, %dma_start3A_705, %dma_start3A_706] : memref<3x200x128xf32, #tpu.memory_space<vmem>> -> memref<1x64x128xf32, #tpu.memory_space<vmem>>
      %dma_start3A_708 = tpu.memref_squeeze %dma_start3A_707 : memref<1x64x128xf32, #tpu.memory_space<vmem>> -> memref<64x128xf32, #tpu.memory_space<vmem>>
      %dma_start3A_709 = arith.constant 64 : i32
      %dma_start3A_710 = tpu.memref_slice %arg5[%add3A_692, %dma_start3A_709] : memref<128x200xi32, #tpu.memory_space<vmem>> -> memref<1x64xi32, #tpu.memory_space<vmem>>
      %dma_start3A_711 = tpu.memref_squeeze %dma_start3A_710 : memref<1x64xi32, #tpu.memory_space<vmem>> -> memref<64xi32, #tpu.memory_space<vmem>>
      %dma_start3A_712 = arith.constant 0 : i32
      %dma_start3A_713 = arith.constant 0 : i32
      %dma_start3A_714 = tpu.memref_slice %arg3[%dma_start3A_712, %dma_start3A_713] : memref<1000000x128xf32, #tpu.memory_space<hbm>> -> memref<1000000x128xf32, #tpu.memory_space<hbm>>
      tpu.enqueue_indirect_dma source(%dma_start3A_714 : memref<1000000x128xf32, #tpu.memory_space<hbm>>) target(%dma_start3A_708 : memref<64x128xf32, #tpu.memory_space<vmem>>) offsets(%dma_start3A_711 : memref<64xi32, #tpu.memory_space<vmem>>) semaphore(%arg8 : memref<!tpu.dma_semaphore, #tpu.memory_space<semaphore_mem>>)
      %dma_start3A_715 = arith.constant 0 : i32
      %dma_start3A_716 = arith.constant 128 : i32
      %dma_start3A_717 = arith.constant 0 : i32
      %dma_start3A_718 = tpu.memref_slice %arg6[%dma_start3A_715, %dma_start3A_716, %dma_start3A_717] : memref<3x200x128xf32, #tpu.memory_space<vmem>> -> memref<1x72x128xf32, #tpu.memory_space<vmem>>
      %dma_start3A_719 = tpu.memref_squeeze %dma_start3A_718 : memref<1x72x128xf32, #tpu.memory_space<vmem>> -> memref<72x128xf32, #tpu.memory_space<vmem>>
      %dma_start3A_720 = arith.constant 128 : i32
      %dma_start3A_721 = tpu.memref_slice %arg5[%add3A_692, %dma_start3A_720] : memref<128x200xi32, #tpu.memory_space<vmem>> -> memref<1x72xi32, #tpu.memory_space<vmem>>
      %dma_start3A_722 = tpu.memref_squeeze %dma_start3A_721 : memref<1x72xi32, #tpu.memory_space<vmem>> -> memref<72xi32, #tpu.memory_space<vmem>>
      %dma_start3A_723 = arith.constant 0 : i32
      %dma_start3A_724 = arith.constant 0 : i32
      %dma_start3A_725 = tpu.memref_slice %arg3[%dma_start3A_723, %dma_start3A_724] : memref<1000000x128xf32, #tpu.memory_space<hbm>> -> memref<1000000x128xf32, #tpu.memory_space<hbm>>
      tpu.enqueue_indirect_dma source(%dma_start3A_725 : memref<1000000x128xf32, #tpu.memory_space<hbm>>) target(%dma_start3A_719 : memref<72x128xf32, #tpu.memory_space<vmem>>) offsets(%dma_start3A_722 : memref<72xi32, #tpu.memory_space<vmem>>) semaphore(%arg8 : memref<!tpu.dma_semaphore, #tpu.memory_space<semaphore_mem>>)
      %mul3A_726 = arith.constant 3 : i32
      %mul3A_727 = arith.muli %mul3A_726, %scan3A_609 : i32
      %add3A_728 = arith.constant 1 : i32
      %add3A_729 = arith.addi %mul3A_727, %add3A_728 : i32
      %dma_wait3A_730 = arith.constant 1 : i32
      %dma_wait3A_731 = arith.constant 0 : i32
      %dma_wait3A_732 = arith.constant 0 : i32
      %dma_wait3A_733 = tpu.memref_slice %arg6[%dma_wait3A_730, %dma_wait3A_731, %dma_wait3A_732] : memref<3x200x128xf32, #tpu.memory_space<vmem>> -> memref<1x200x128xf32, #tpu.memory_space<vmem>>
      %dma_wait3A_734 = tpu.memref_squeeze %dma_wait3A_733 : memref<1x200x128xf32, #tpu.memory_space<vmem>> -> memref<200x128xf32, #tpu.memory_space<vmem>>
      %dma_wait3A_735 = arith.constant 0 : i32
      %dma_wait3A_736 = arith.constant 0 : i32
      %dma_wait3A_737 = tpu.memref_slice %arg3[%dma_wait3A_735, %dma_wait3A_736] : memref<1000000x128xf32, #tpu.memory_space<hbm>> -> memref<200x128xf32, #tpu.memory_space<hbm>>
      %dma_wait3A_738 = arith.constant 0 : i32
      %dma_wait3A_739 = arith.constant 0 : i32
      %dma_wait3A_740 = tpu.memref_slice %arg6[%dma_wait3A_730, %dma_wait3A_738, %dma_wait3A_739] : memref<3x200x128xf32, #tpu.memory_space<vmem>> -> memref<1x200x128xf32, #tpu.memory_space<vmem>>
      %dma_wait3A_741 = tpu.memref_squeeze %dma_wait3A_740 : memref<1x200x128xf32, #tpu.memory_space<vmem>> -> memref<200x128xf32, #tpu.memory_space<vmem>>
      %dma_wait3A_742 = arith.constant 0 : i32
      %dma_wait3A_743 = arith.constant 0 : i32
      %dma_wait3A_744 = tpu.memref_slice %arg3[%dma_wait3A_742, %dma_wait3A_743] : memref<1000000x128xf32, #tpu.memory_space<hbm>> -> memref<200x128xf32, #tpu.memory_space<hbm>>
      tpu.wait_dma2 semaphore(%arg9 : memref<!tpu.dma_semaphore, #tpu.memory_space<semaphore_mem>>) src(%dma_wait3A_744 : memref<200x128xf32, #tpu.memory_space<hbm>>) dst(%dma_wait3A_741 : memref<200x128xf32, #tpu.memory_space<vmem>>)
      %broadcast_in_dim3A_745 = arith.constant 0.000000e+00 : f32
      %broadcast_in_dim3A_746 = vector.broadcast %broadcast_in_dim3A_745 : f32 to vector<16xf32>
      %broadcast_in_dim3A_747 = arith.constant 0.000000e+00 : f32
      %broadcast_in_dim3A_748 = vector.broadcast %broadcast_in_dim3A_747 : f32 to vector<16xf32>
      %broadcast_in_dim3A_749 = arith.constant 0.000000e+00 : f32
      %broadcast_in_dim3A_750 = vector.broadcast %broadcast_in_dim3A_749 : f32 to vector<16xf32>
      %broadcast_in_dim3A_751 = arith.constant 0.000000e+00 : f32
      %broadcast_in_dim3A_752 = vector.broadcast %broadcast_in_dim3A_751 : f32 to vector<16xf32>
      %broadcast_in_dim3A_753 = arith.constant 0.000000e+00 : f32
      %broadcast_in_dim3A_754 = vector.broadcast %broadcast_in_dim3A_753 : f32 to vector<16xf32>
      %broadcast_in_dim3A_755 = arith.constant 0.000000e+00 : f32
      %broadcast_in_dim3A_756 = vector.broadcast %broadcast_in_dim3A_755 : f32 to vector<16xf32>
      %broadcast_in_dim3A_757 = arith.constant 0.000000e+00 : f32
      %broadcast_in_dim3A_758 = vector.broadcast %broadcast_in_dim3A_757 : f32 to vector<16xf32>
      %broadcast_in_dim3A_759 = arith.constant 0.000000e+00 : f32
      %broadcast_in_dim3A_760 = vector.broadcast %broadcast_in_dim3A_759 : f32 to vector<16xf32>
      %scan3A_761 = arith.constant 0 : i32
      %scan3A_762 = arith.constant 200 : i32
      %scan3A_763 = arith.addi %scan3A_761, %scan3A_762 : i32
      %scan3A_764 = arith.constant 1 : i32
      %scan3A_765:8 = scf.for %scan3A_958 = %scan3A_761 to %scan3A_763 step %scan3A_764 iter_args(%scan3A_959 = %broadcast_in_dim3A_746, %scan3A_960 = %broadcast_in_dim3A_748, %scan3A_961 = %broadcast_in_dim3A_750, %scan3A_962 = %broadcast_in_dim3A_752, %scan3A_963 = %broadcast_in_dim3A_754, %scan3A_964 = %broadcast_in_dim3A_756, %scan3A_965 = %broadcast_in_dim3A_758, %scan3A_966 = %broadcast_in_dim3A_760) -> (vector<16xf32>, vector<16xf32>, vector<16xf32>, vector<16xf32>, vector<16xf32>, vector<16xf32>, vector<16xf32>, vector<16xf32>)  : i32 {
        %get3A = arith.constant 1 : i32
        %get3A_967 = arith.index_cast %get3A : i32 to index
        %get3A_968 = arith.index_cast %scan3A_958 : i32 to index
        %get3A_969 = arith.constant 0 : index
        %get3A_970 = tpu.vector_load %arg6[%get3A_967, %get3A_968, %get3A_969] {strides = array<i32>} : memref<3x200x128xf32, #tpu.memory_space<vmem>>, vector<1x1x16xf32>,
        %get3A_971 = vector.shape_cast %get3A_970 : vector<1x1x16xf32> to vector<16xf32>
        %add3A_972 = arith.addf %scan3A_959, %get3A_971 : vector<16xf32>
        %get3A_973 = arith.constant 1 : i32
        %get3A_974 = arith.index_cast %get3A_973 : i32 to index
        %get3A_975 = arith.index_cast %scan3A_958 : i32 to index
        %get3A_976 = arith.constant 16 : index
        %get3A_977 = tpu.vector_load %arg6[%get3A_974, %get3A_975, %get3A_976] {strides = array<i32>} : memref<3x200x128xf32, #tpu.memory_space<vmem>>, vector<1x1x16xf32>,
        %get3A_978 = vector.shape_cast %get3A_977 : vector<1x1x16xf32> to vector<16xf32>
        %add3A_979 = arith.addf %scan3A_960, %get3A_978 : vector<16xf32>
        %get3A_980 = arith.constant 1 : i32
        %get3A_981 = arith.index_cast %get3A_980 : i32 to index
        %get3A_982 = arith.index_cast %scan3A_958 : i32 to index
        %get3A_983 = arith.constant 32 : index
        %get3A_984 = tpu.vector_load %arg6[%get3A_981, %get3A_982, %get3A_983] {strides = array<i32>} : memref<3x200x128xf32, #tpu.memory_space<vmem>>, vector<1x1x16xf32>,
        %get3A_985 = vector.shape_cast %get3A_984 : vector<1x1x16xf32> to vector<16xf32>
        %add3A_986 = arith.addf %scan3A_961, %get3A_985 : vector<16xf32>
        %get3A_987 = arith.constant 1 : i32
        %get3A_988 = arith.index_cast %get3A_987 : i32 to index
        %get3A_989 = arith.index_cast %scan3A_958 : i32 to index
        %get3A_990 = arith.constant 48 : index
        %get3A_991 = tpu.vector_load %arg6[%get3A_988, %get3A_989, %get3A_990] {strides = array<i32>} : memref<3x200x128xf32, #tpu.memory_space<vmem>>, vector<1x1x16xf32>,
        %get3A_992 = vector.shape_cast %get3A_991 : vector<1x1x16xf32> to vector<16xf32>
        %add3A_993 = arith.addf %scan3A_962, %get3A_992 : vector<16xf32>
        %get3A_994 = arith.constant 1 : i32
        %get3A_995 = arith.index_cast %get3A_994 : i32 to index
        %get3A_996 = arith.index_cast %scan3A_958 : i32 to index
        %get3A_997 = arith.constant 64 : index
        %get3A_998 = tpu.vector_load %arg6[%get3A_995, %get3A_996, %get3A_997] {strides = array<i32>} : memref<3x200x128xf32, #tpu.memory_space<vmem>>, vector<1x1x16xf32>,
        %get3A_999 = vector.shape_cast %get3A_998 : vector<1x1x16xf32> to vector<16xf32>
        %add3A_1000 = arith.addf %scan3A_963, %get3A_999 : vector<16xf32>
        %get3A_1001 = arith.constant 1 : i32
        %get3A_1002 = arith.index_cast %get3A_1001 : i32 to index
        %get3A_1003 = arith.index_cast %scan3A_958 : i32 to index
        %get3A_1004 = arith.constant 80 : index
        %get3A_1005 = tpu.vector_load %arg6[%get3A_1002, %get3A_1003, %get3A_1004] {strides = array<i32>} : memref<3x200x128xf32, #tpu.memory_space<vmem>>, vector<1x1x16xf32>,
        %get3A_1006 = vector.shape_cast %get3A_1005 : vector<1x1x16xf32> to vector<16xf32>
        %add3A_1007 = arith.addf %scan3A_964, %get3A_1006 : vector<16xf32>
        %get3A_1008 = arith.constant 1 : i32
        %get3A_1009 = arith.index_cast %get3A_1008 : i32 to index
        %get3A_1010 = arith.index_cast %scan3A_958 : i32 to index
        %get3A_1011 = arith.constant 96 : index
        %get3A_1012 = tpu.vector_load %arg6[%get3A_1009, %get3A_1010, %get3A_1011] {strides = array<i32>} : memref<3x200x128xf32, #tpu.memory_space<vmem>>, vector<1x1x16xf32>,
        %get3A_1013 = vector.shape_cast %get3A_1012 : vector<1x1x16xf32> to vector<16xf32>
        %add3A_1014 = arith.addf %scan3A_965, %get3A_1013 : vector<16xf32>
        %get3A_1015 = arith.constant 1 : i32
        %get3A_1016 = arith.index_cast %get3A_1015 : i32 to index
        %get3A_1017 = arith.index_cast %scan3A_958 : i32 to index
        %get3A_1018 = arith.constant 112 : index
        %get3A_1019 = tpu.vector_load %arg6[%get3A_1016, %get3A_1017, %get3A_1018] {strides = array<i32>} : memref<3x200x128xf32, #tpu.memory_space<vmem>>, vector<1x1x16xf32>,
        %get3A_1020 = vector.shape_cast %get3A_1019 : vector<1x1x16xf32> to vector<16xf32>
        %add3A_1021 = arith.addf %scan3A_966, %get3A_1020 : vector<16xf32>
        scf.yield %add3A_972, %add3A_979, %add3A_986, %add3A_993, %add3A_1000, %add3A_1007, %add3A_1014, %add3A_1021 : vector<16xf32>, vector<16xf32>, vector<16xf32>, vector<16xf32>, vector<16xf32>, vector<16xf32>, vector<16xf32>, vector<16xf32>
      }
      %scan3A_766 = arith.constant 200 : i32
      %swap3A_767 = arith.index_cast %add3A_729 : i32 to index
      %swap3A_768 = arith.constant 0 : index
      %swap3A_769 = tpu.vector_load %arg7[%swap3A_767, %swap3A_768] {strides = array<i32>} : memref<128x128xf32, #tpu.memory_space<vmem>>, vector<1x16xf32>,
      %swap3A_770 = vector.shape_cast %swap3A_769 : vector<1x16xf32> to vector<16xf32>
      %swap3A_771 = vector.shape_cast %scan3A_765#0 : vector<16xf32> to vector<1x16xf32>
      tpu.vector_store %arg7[%swap3A_767, %swap3A_768], %swap3A_771 {strides = array<i32>} : memref<128x128xf32, #tpu.memory_space<vmem>>, vector<1x16xf32>,
      %swap3A_772 = arith.index_cast %add3A_729 : i32 to index
      %swap3A_773 = arith.constant 16 : index
      %swap3A_774 = tpu.vector_load %arg7[%swap3A_772, %swap3A_773] {strides = array<i32>} : memref<128x128xf32, #tpu.memory_space<vmem>>, vector<1x16xf32>,
      %swap3A_775 = vector.shape_cast %swap3A_774 : vector<1x16xf32> to vector<16xf32>
      %swap3A_776 = vector.shape_cast %scan3A_765#1 : vector<16xf32> to vector<1x16xf32>
      tpu.vector_store %arg7[%swap3A_772, %swap3A_773], %swap3A_776 {strides = array<i32>} : memref<128x128xf32, #tpu.memory_space<vmem>>, vector<1x16xf32>,
      %swap3A_777 = arith.index_cast %add3A_729 : i32 to index
      %swap3A_778 = arith.constant 32 : index
      %swap3A_779 = tpu.vector_load %arg7[%swap3A_777, %swap3A_778] {strides = array<i32>} : memref<128x128xf32, #tpu.memory_space<vmem>>, vector<1x16xf32>,
      %swap3A_780 = vector.shape_cast %swap3A_779 : vector<1x16xf32> to vector<16xf32>
      %swap3A_781 = vector.shape_cast %scan3A_765#2 : vector<16xf32> to vector<1x16xf32>
      tpu.vector_store %arg7[%swap3A_777, %swap3A_778], %swap3A_781 {strides = array<i32>} : memref<128x128xf32, #tpu.memory_space<vmem>>, vector<1x16xf32>,
      %swap3A_782 = arith.index_cast %add3A_729 : i32 to index
      %swap3A_783 = arith.constant 48 : index
      %swap3A_784 = tpu.vector_load %arg7[%swap3A_782, %swap3A_783] {strides = array<i32>} : memref<128x128xf32, #tpu.memory_space<vmem>>, vector<1x16xf32>,
      %swap3A_785 = vector.shape_cast %swap3A_784 : vector<1x16xf32> to vector<16xf32>
      %swap3A_786 = vector.shape_cast %scan3A_765#3 : vector<16xf32> to vector<1x16xf32>
      tpu.vector_store %arg7[%swap3A_782, %swap3A_783], %swap3A_786 {strides = array<i32>} : memref<128x128xf32, #tpu.memory_space<vmem>>, vector<1x16xf32>,
      %swap3A_787 = arith.index_cast %add3A_729 : i32 to index
      %swap3A_788 = arith.constant 64 : index
      %swap3A_789 = tpu.vector_load %arg7[%swap3A_787, %swap3A_788] {strides = array<i32>} : memref<128x128xf32, #tpu.memory_space<vmem>>, vector<1x16xf32>,
      %swap3A_790 = vector.shape_cast %swap3A_789 : vector<1x16xf32> to vector<16xf32>
      %swap3A_791 = vector.shape_cast %scan3A_765#4 : vector<16xf32> to vector<1x16xf32>
      tpu.vector_store %arg7[%swap3A_787, %swap3A_788], %swap3A_791 {strides = array<i32>} : memref<128x128xf32, #tpu.memory_space<vmem>>, vector<1x16xf32>,
      %swap3A_792 = arith.index_cast %add3A_729 : i32 to index
      %swap3A_793 = arith.constant 80 : index
      %swap3A_794 = tpu.vector_load %arg7[%swap3A_792, %swap3A_793] {strides = array<i32>} : memref<128x128xf32, #tpu.memory_space<vmem>>, vector<1x16xf32>,
      %swap3A_795 = vector.shape_cast %swap3A_794 : vector<1x16xf32> to vector<16xf32>
      %swap3A_796 = vector.shape_cast %scan3A_765#5 : vector<16xf32> to vector<1x16xf32>
      tpu.vector_store %arg7[%swap3A_792, %swap3A_793], %swap3A_796 {strides = array<i32>} : memref<128x128xf32, #tpu.memory_space<vmem>>, vector<1x16xf32>,
      %swap3A_797 = arith.index_cast %add3A_729 : i32 to index
      %swap3A_798 = arith.constant 96 : index
      %swap3A_799 = tpu.vector_load %arg7[%swap3A_797, %swap3A_798] {strides = array<i32>} : memref<128x128xf32, #tpu.memory_space<vmem>>, vector<1x16xf32>,
      %swap3A_800 = vector.shape_cast %swap3A_799 : vector<1x16xf32> to vector<16xf32>
      %swap3A_801 = vector.shape_cast %scan3A_765#6 : vector<16xf32> to vector<1x16xf32>
      tpu.vector_store %arg7[%swap3A_797, %swap3A_798], %swap3A_801 {strides = array<i32>} : memref<128x128xf32, #tpu.memory_space<vmem>>, vector<1x16xf32>,
      %swap3A_802 = arith.index_cast %add3A_729 : i32 to index
      %swap3A_803 = arith.constant 112 : index
      %swap3A_804 = tpu.vector_load %arg7[%swap3A_802, %swap3A_803] {strides = array<i32>} : memref<128x128xf32, #tpu.memory_space<vmem>>, vector<1x16xf32>,
      %swap3A_805 = vector.shape_cast %swap3A_804 : vector<1x16xf32> to vector<16xf32>
      %swap3A_806 = vector.shape_cast %scan3A_765#7 : vector<16xf32> to vector<1x16xf32>
      tpu.vector_store %arg7[%swap3A_802, %swap3A_803], %swap3A_806 {strides = array<i32>} : memref<128x128xf32, #tpu.memory_space<vmem>>, vector<1x16xf32>,
      %add3A_807 = arith.constant 3 : i32
      %add3A_808 = arith.addi %add3A_729, %add3A_807 : i32
      %dma_start3A_809 = arith.constant 1 : i32
      %dma_start3A_810 = arith.constant 0 : i32
      %dma_start3A_811 = arith.constant 0 : i32
      %dma_start3A_812 = tpu.memref_slice %arg6[%dma_start3A_809, %dma_start3A_810, %dma_start3A_811] : memref<3x200x128xf32, #tpu.memory_space<vmem>> -> memref<1x64x128xf32, #tpu.memory_space<vmem>>
      %dma_start3A_813 = tpu.memref_squeeze %dma_start3A_812 : memref<1x64x128xf32, #tpu.memory_space<vmem>> -> memref<64x128xf32, #tpu.memory_space<vmem>>
      %dma_start3A_814 = arith.constant 0 : i32
      %dma_start3A_815 = tpu.memref_slice %arg5[%add3A_808, %dma_start3A_814] : memref<128x200xi32, #tpu.memory_space<vmem>> -> memref<1x64xi32, #tpu.memory_space<vmem>>
      %dma_start3A_816 = tpu.memref_squeeze %dma_start3A_815 : memref<1x64xi32, #tpu.memory_space<vmem>> -> memref<64xi32, #tpu.memory_space<vmem>>
      %dma_start3A_817 = arith.constant 0 : i32
      %dma_start3A_818 = arith.constant 0 : i32
      %dma_start3A_819 = tpu.memref_slice %arg3[%dma_start3A_817, %dma_start3A_818] : memref<1000000x128xf32, #tpu.memory_space<hbm>> -> memref<1000000x128xf32, #tpu.memory_space<hbm>>
      tpu.enqueue_indirect_dma source(%dma_start3A_819 : memref<1000000x128xf32, #tpu.memory_space<hbm>>) target(%dma_start3A_813 : memref<64x128xf32, #tpu.memory_space<vmem>>) offsets(%dma_start3A_816 : memref<64xi32, #tpu.memory_space<vmem>>) semaphore(%arg9 : memref<!tpu.dma_semaphore, #tpu.memory_space<semaphore_mem>>)
      %dma_start3A_820 = arith.constant 1 : i32
      %dma_start3A_821 = arith.constant 64 : i32
      %dma_start3A_822 = arith.constant 0 : i32
      %dma_start3A_823 = tpu.memref_slice %arg6[%dma_start3A_820, %dma_start3A_821, %dma_start3A_822] : memref<3x200x128xf32, #tpu.memory_space<vmem>> -> memref<1x64x128xf32, #tpu.memory_space<vmem>>
      %dma_start3A_824 = tpu.memref_squeeze %dma_start3A_823 : memref<1x64x128xf32, #tpu.memory_space<vmem>> -> memref<64x128xf32, #tpu.memory_space<vmem>>
      %dma_start3A_825 = arith.constant 64 : i32
      %dma_start3A_826 = tpu.memref_slice %arg5[%add3A_808, %dma_start3A_825] : memref<128x200xi32, #tpu.memory_space<vmem>> -> memref<1x64xi32, #tpu.memory_space<vmem>>
      %dma_start3A_827 = tpu.memref_squeeze %dma_start3A_826 : memref<1x64xi32, #tpu.memory_space<vmem>> -> memref<64xi32, #tpu.memory_space<vmem>>
      %dma_start3A_828 = arith.constant 0 : i32
      %dma_start3A_829 = arith.constant 0 : i32
      %dma_start3A_830 = tpu.memref_slice %arg3[%dma_start3A_828, %dma_start3A_829] : memref<1000000x128xf32, #tpu.memory_space<hbm>> -> memref<1000000x128xf32, #tpu.memory_space<hbm>>
      tpu.enqueue_indirect_dma source(%dma_start3A_830 : memref<1000000x128xf32, #tpu.memory_space<hbm>>) target(%dma_start3A_824 : memref<64x128xf32, #tpu.memory_space<vmem>>) offsets(%dma_start3A_827 : memref<64xi32, #tpu.memory_space<vmem>>) semaphore(%arg9 : memref<!tpu.dma_semaphore, #tpu.memory_space<semaphore_mem>>)
      %dma_start3A_831 = arith.constant 1 : i32
      %dma_start3A_832 = arith.constant 128 : i32
      %dma_start3A_833 = arith.constant 0 : i32
      %dma_start3A_834 = tpu.memref_slice %arg6[%dma_start3A_831, %dma_start3A_832, %dma_start3A_833] : memref<3x200x128xf32, #tpu.memory_space<vmem>> -> memref<1x72x128xf32, #tpu.memory_space<vmem>>
      %dma_start3A_835 = tpu.memref_squeeze %dma_start3A_834 : memref<1x72x128xf32, #tpu.memory_space<vmem>> -> memref<72x128xf32, #tpu.memory_space<vmem>>
      %dma_start3A_836 = arith.constant 128 : i32
      %dma_start3A_837 = tpu.memref_slice %arg5[%add3A_808, %dma_start3A_836] : memref<128x200xi32, #tpu.memory_space<vmem>> -> memref<1x72xi32, #tpu.memory_space<vmem>>
      %dma_start3A_838 = tpu.memref_squeeze %dma_start3A_837 : memref<1x72xi32, #tpu.memory_space<vmem>> -> memref<72xi32, #tpu.memory_space<vmem>>
      %dma_start3A_839 = arith.constant 0 : i32
      %dma_start3A_840 = arith.constant 0 : i32
      %dma_start3A_841 = tpu.memref_slice %arg3[%dma_start3A_839, %dma_start3A_840] : memref<1000000x128xf32, #tpu.memory_space<hbm>> -> memref<1000000x128xf32, #tpu.memory_space<hbm>>
      tpu.enqueue_indirect_dma source(%dma_start3A_841 : memref<1000000x128xf32, #tpu.memory_space<hbm>>) target(%dma_start3A_835 : memref<72x128xf32, #tpu.memory_space<vmem>>) offsets(%dma_start3A_838 : memref<72xi32, #tpu.memory_space<vmem>>) semaphore(%arg9 : memref<!tpu.dma_semaphore, #tpu.memory_space<semaphore_mem>>)
      %mul3A_842 = arith.constant 3 : i32
      %mul3A_843 = arith.muli %mul3A_842, %scan3A_609 : i32
      %add3A_844 = arith.constant 2 : i32
      %add3A_845 = arith.addi %mul3A_843, %add3A_844 : i32
      %dma_wait3A_846 = arith.constant 2 : i32
      %dma_wait3A_847 = arith.constant 0 : i32
      %dma_wait3A_848 = arith.constant 0 : i32
      %dma_wait3A_849 = tpu.memref_slice %arg6[%dma_wait3A_846, %dma_wait3A_847, %dma_wait3A_848] : memref<3x200x128xf32, #tpu.memory_space<vmem>> -> memref<1x200x128xf32, #tpu.memory_space<vmem>>
      %dma_wait3A_850 = tpu.memref_squeeze %dma_wait3A_849 : memref<1x200x128xf32, #tpu.memory_space<vmem>> -> memref<200x128xf32, #tpu.memory_space<vmem>>
      %dma_wait3A_851 = arith.constant 0 : i32
      %dma_wait3A_852 = arith.constant 0 : i32
      %dma_wait3A_853 = tpu.memref_slice %arg3[%dma_wait3A_851, %dma_wait3A_852] : memref<1000000x128xf32, #tpu.memory_space<hbm>> -> memref<200x128xf32, #tpu.memory_space<hbm>>
      %dma_wait3A_854 = arith.constant 0 : i32
      %dma_wait3A_855 = arith.constant 0 : i32
      %dma_wait3A_856 = tpu.memref_slice %arg6[%dma_wait3A_846, %dma_wait3A_854, %dma_wait3A_855] : memref<3x200x128xf32, #tpu.memory_space<vmem>> -> memref<1x200x128xf32, #tpu.memory_space<vmem>>
      %dma_wait3A_857 = tpu.memref_squeeze %dma_wait3A_856 : memref<1x200x128xf32, #tpu.memory_space<vmem>> -> memref<200x128xf32, #tpu.memory_space<vmem>>
      %dma_wait3A_858 = arith.constant 0 : i32
      %dma_wait3A_859 = arith.constant 0 : i32
      %dma_wait3A_860 = tpu.memref_slice %arg3[%dma_wait3A_858, %dma_wait3A_859] : memref<1000000x128xf32, #tpu.memory_space<hbm>> -> memref<200x128xf32, #tpu.memory_space<hbm>>
      tpu.wait_dma2 semaphore(%arg10 : memref<!tpu.dma_semaphore, #tpu.memory_space<semaphore_mem>>) src(%dma_wait3A_860 : memref<200x128xf32, #tpu.memory_space<hbm>>) dst(%dma_wait3A_857 : memref<200x128xf32, #tpu.memory_space<vmem>>)
      %broadcast_in_dim3A_861 = arith.constant 0.000000e+00 : f32
      %broadcast_in_dim3A_862 = vector.broadcast %broadcast_in_dim3A_861 : f32 to vector<16xf32>
      %broadcast_in_dim3A_863 = arith.constant 0.000000e+00 : f32
      %broadcast_in_dim3A_864 = vector.broadcast %broadcast_in_dim3A_863 : f32 to vector<16xf32>
      %broadcast_in_dim3A_865 = arith.constant 0.000000e+00 : f32
      %broadcast_in_dim3A_866 = vector.broadcast %broadcast_in_dim3A_865 : f32 to vector<16xf32>
      %broadcast_in_dim3A_867 = arith.constant 0.000000e+00 : f32
      %broadcast_in_dim3A_868 = vector.broadcast %broadcast_in_dim3A_867 : f32 to vector<16xf32>
      %broadcast_in_dim3A_869 = arith.constant 0.000000e+00 : f32
      %broadcast_in_dim3A_870 = vector.broadcast %broadcast_in_dim3A_869 : f32 to vector<16xf32>
      %broadcast_in_dim3A_871 = arith.constant 0.000000e+00 : f32
      %broadcast_in_dim3A_872 = vector.broadcast %broadcast_in_dim3A_871 : f32 to vector<16xf32>
      %broadcast_in_dim3A_873 = arith.constant 0.000000e+00 : f32
      %broadcast_in_dim3A_874 = vector.broadcast %broadcast_in_dim3A_873 : f32 to vector<16xf32>
      %broadcast_in_dim3A_875 = arith.constant 0.000000e+00 : f32
      %broadcast_in_dim3A_876 = vector.broadcast %broadcast_in_dim3A_875 : f32 to vector<16xf32>
      %scan3A_877 = arith.constant 0 : i32
      %scan3A_878 = arith.constant 200 : i32
      %scan3A_879 = arith.addi %scan3A_877, %scan3A_878 : i32
      %scan3A_880 = arith.constant 1 : i32
      %scan3A_881:8 = scf.for %scan3A_958 = %scan3A_877 to %scan3A_879 step %scan3A_880 iter_args(%scan3A_959 = %broadcast_in_dim3A_862, %scan3A_960 = %broadcast_in_dim3A_864, %scan3A_961 = %broadcast_in_dim3A_866, %scan3A_962 = %broadcast_in_dim3A_868, %scan3A_963 = %broadcast_in_dim3A_870, %scan3A_964 = %broadcast_in_dim3A_872, %scan3A_965 = %broadcast_in_dim3A_874, %scan3A_966 = %broadcast_in_dim3A_876) -> (vector<16xf32>, vector<16xf32>, vector<16xf32>, vector<16xf32>, vector<16xf32>, vector<16xf32>, vector<16xf32>, vector<16xf32>)  : i32 {
        %get3A = arith.constant 2 : i32
        %get3A_967 = arith.index_cast %get3A : i32 to index
        %get3A_968 = arith.index_cast %scan3A_958 : i32 to index
        %get3A_969 = arith.constant 0 : index
        %get3A_970 = tpu.vector_load %arg6[%get3A_967, %get3A_968, %get3A_969] {strides = array<i32>} : memref<3x200x128xf32, #tpu.memory_space<vmem>>, vector<1x1x16xf32>,
        %get3A_971 = vector.shape_cast %get3A_970 : vector<1x1x16xf32> to vector<16xf32>
        %add3A_972 = arith.addf %scan3A_959, %get3A_971 : vector<16xf32>
        %get3A_973 = arith.constant 2 : i32
        %get3A_974 = arith.index_cast %get3A_973 : i32 to index
        %get3A_975 = arith.index_cast %scan3A_958 : i32 to index
        %get3A_976 = arith.constant 16 : index
        %get3A_977 = tpu.vector_load %arg6[%get3A_974, %get3A_975, %get3A_976] {strides = array<i32>} : memref<3x200x128xf32, #tpu.memory_space<vmem>>, vector<1x1x16xf32>,
        %get3A_978 = vector.shape_cast %get3A_977 : vector<1x1x16xf32> to vector<16xf32>
        %add3A_979 = arith.addf %scan3A_960, %get3A_978 : vector<16xf32>
        %get3A_980 = arith.constant 2 : i32
        %get3A_981 = arith.index_cast %get3A_980 : i32 to index
        %get3A_982 = arith.index_cast %scan3A_958 : i32 to index
        %get3A_983 = arith.constant 32 : index
        %get3A_984 = tpu.vector_load %arg6[%get3A_981, %get3A_982, %get3A_983] {strides = array<i32>} : memref<3x200x128xf32, #tpu.memory_space<vmem>>, vector<1x1x16xf32>,
        %get3A_985 = vector.shape_cast %get3A_984 : vector<1x1x16xf32> to vector<16xf32>
        %add3A_986 = arith.addf %scan3A_961, %get3A_985 : vector<16xf32>
        %get3A_987 = arith.constant 2 : i32
        %get3A_988 = arith.index_cast %get3A_987 : i32 to index
        %get3A_989 = arith.index_cast %scan3A_958 : i32 to index
        %get3A_990 = arith.constant 48 : index
        %get3A_991 = tpu.vector_load %arg6[%get3A_988, %get3A_989, %get3A_990] {strides = array<i32>} : memref<3x200x128xf32, #tpu.memory_space<vmem>>, vector<1x1x16xf32>,
        %get3A_992 = vector.shape_cast %get3A_991 : vector<1x1x16xf32> to vector<16xf32>
        %add3A_993 = arith.addf %scan3A_962, %get3A_992 : vector<16xf32>
        %get3A_994 = arith.constant 2 : i32
        %get3A_995 = arith.index_cast %get3A_994 : i32 to index
        %get3A_996 = arith.index_cast %scan3A_958 : i32 to index
        %get3A_997 = arith.constant 64 : index
        %get3A_998 = tpu.vector_load %arg6[%get3A_995, %get3A_996, %get3A_997] {strides = array<i32>} : memref<3x200x128xf32, #tpu.memory_space<vmem>>, vector<1x1x16xf32>,
        %get3A_999 = vector.shape_cast %get3A_998 : vector<1x1x16xf32> to vector<16xf32>
        %add3A_1000 = arith.addf %scan3A_963, %get3A_999 : vector<16xf32>
        %get3A_1001 = arith.constant 2 : i32
        %get3A_1002 = arith.index_cast %get3A_1001 : i32 to index
        %get3A_1003 = arith.index_cast %scan3A_958 : i32 to index
        %get3A_1004 = arith.constant 80 : index
        %get3A_1005 = tpu.vector_load %arg6[%get3A_1002, %get3A_1003, %get3A_1004] {strides = array<i32>} : memref<3x200x128xf32, #tpu.memory_space<vmem>>, vector<1x1x16xf32>,
        %get3A_1006 = vector.shape_cast %get3A_1005 : vector<1x1x16xf32> to vector<16xf32>
        %add3A_1007 = arith.addf %scan3A_964, %get3A_1006 : vector<16xf32>
        %get3A_1008 = arith.constant 2 : i32
        %get3A_1009 = arith.index_cast %get3A_1008 : i32 to index
        %get3A_1010 = arith.index_cast %scan3A_958 : i32 to index
        %get3A_1011 = arith.constant 96 : index
        %get3A_1012 = tpu.vector_load %arg6[%get3A_1009, %get3A_1010, %get3A_1011] {strides = array<i32>} : memref<3x200x128xf32, #tpu.memory_space<vmem>>, vector<1x1x16xf32>,
        %get3A_1013 = vector.shape_cast %get3A_1012 : vector<1x1x16xf32> to vector<16xf32>
        %add3A_1014 = arith.addf %scan3A_965, %get3A_1013 : vector<16xf32>
        %get3A_1015 = arith.constant 2 : i32
        %get3A_1016 = arith.index_cast %get3A_1015 : i32 to index
        %get3A_1017 = arith.index_cast %scan3A_958 : i32 to index
        %get3A_1018 = arith.constant 112 : index
        %get3A_1019 = tpu.vector_load %arg6[%get3A_1016, %get3A_1017, %get3A_1018] {strides = array<i32>} : memref<3x200x128xf32, #tpu.memory_space<vmem>>, vector<1x1x16xf32>,
        %get3A_1020 = vector.shape_cast %get3A_1019 : vector<1x1x16xf32> to vector<16xf32>
        %add3A_1021 = arith.addf %scan3A_966, %get3A_1020 : vector<16xf32>
        scf.yield %add3A_972, %add3A_979, %add3A_986, %add3A_993, %add3A_1000, %add3A_1007, %add3A_1014, %add3A_1021 : vector<16xf32>, vector<16xf32>, vector<16xf32>, vector<16xf32>, vector<16xf32>, vector<16xf32>, vector<16xf32>, vector<16xf32>
      }
      %scan3A_882 = arith.constant 200 : i32
      %swap3A_883 = arith.index_cast %add3A_845 : i32 to index
      %swap3A_884 = arith.constant 0 : index
      %swap3A_885 = tpu.vector_load %arg7[%swap3A_883, %swap3A_884] {strides = array<i32>} : memref<128x128xf32, #tpu.memory_space<vmem>>, vector<1x16xf32>,
      %swap3A_886 = vector.shape_cast %swap3A_885 : vector<1x16xf32> to vector<16xf32>
      %swap3A_887 = vector.shape_cast %scan3A_881#0 : vector<16xf32> to vector<1x16xf32>
      tpu.vector_store %arg7[%swap3A_883, %swap3A_884], %swap3A_887 {strides = array<i32>} : memref<128x128xf32, #tpu.memory_space<vmem>>, vector<1x16xf32>,
      %swap3A_888 = arith.index_cast %add3A_845 : i32 to index
      %swap3A_889 = arith.constant 16 : index
      %swap3A_890 = tpu.vector_load %arg7[%swap3A_888, %swap3A_889] {strides = array<i32>} : memref<128x128xf32, #tpu.memory_space<vmem>>, vector<1x16xf32>,
      %swap3A_891 = vector.shape_cast %swap3A_890 : vector<1x16xf32> to vector<16xf32>
      %swap3A_892 = vector.shape_cast %scan3A_881#1 : vector<16xf32> to vector<1x16xf32>
      tpu.vector_store %arg7[%swap3A_888, %swap3A_889], %swap3A_892 {strides = array<i32>} : memref<128x128xf32, #tpu.memory_space<vmem>>, vector<1x16xf32>,
      %swap3A_893 = arith.index_cast %add3A_845 : i32 to index
      %swap3A_894 = arith.constant 32 : index
      %swap3A_895 = tpu.vector_load %arg7[%swap3A_893, %swap3A_894] {strides = array<i32>} : memref<128x128xf32, #tpu.memory_space<vmem>>, vector<1x16xf32>,
      %swap3A_896 = vector.shape_cast %swap3A_895 : vector<1x16xf32> to vector<16xf32>
      %swap3A_897 = vector.shape_cast %scan3A_881#2 : vector<16xf32> to vector<1x16xf32>
      tpu.vector_store %arg7[%swap3A_893, %swap3A_894], %swap3A_897 {strides = array<i32>} : memref<128x128xf32, #tpu.memory_space<vmem>>, vector<1x16xf32>,
      %swap3A_898 = arith.index_cast %add3A_845 : i32 to index
      %swap3A_899 = arith.constant 48 : index
      %swap3A_900 = tpu.vector_load %arg7[%swap3A_898, %swap3A_899] {strides = array<i32>} : memref<128x128xf32, #tpu.memory_space<vmem>>, vector<1x16xf32>,
      %swap3A_901 = vector.shape_cast %swap3A_900 : vector<1x16xf32> to vector<16xf32>
      %swap3A_902 = vector.shape_cast %scan3A_881#3 : vector<16xf32> to vector<1x16xf32>
      tpu.vector_store %arg7[%swap3A_898, %swap3A_899], %swap3A_902 {strides = array<i32>} : memref<128x128xf32, #tpu.memory_space<vmem>>, vector<1x16xf32>,
      %swap3A_903 = arith.index_cast %add3A_845 : i32 to index
      %swap3A_904 = arith.constant 64 : index
      %swap3A_905 = tpu.vector_load %arg7[%swap3A_903, %swap3A_904] {strides = array<i32>} : memref<128x128xf32, #tpu.memory_space<vmem>>, vector<1x16xf32>,
      %swap3A_906 = vector.shape_cast %swap3A_905 : vector<1x16xf32> to vector<16xf32>
      %swap3A_907 = vector.shape_cast %scan3A_881#4 : vector<16xf32> to vector<1x16xf32>
      tpu.vector_store %arg7[%swap3A_903, %swap3A_904], %swap3A_907 {strides = array<i32>} : memref<128x128xf32, #tpu.memory_space<vmem>>, vector<1x16xf32>,
      %swap3A_908 = arith.index_cast %add3A_845 : i32 to index
      %swap3A_909 = arith.constant 80 : index
      %swap3A_910 = tpu.vector_load %arg7[%swap3A_908, %swap3A_909] {strides = array<i32>} : memref<128x128xf32, #tpu.memory_space<vmem>>, vector<1x16xf32>,
      %swap3A_911 = vector.shape_cast %swap3A_910 : vector<1x16xf32> to vector<16xf32>
      %swap3A_912 = vector.shape_cast %scan3A_881#5 : vector<16xf32> to vector<1x16xf32>
      tpu.vector_store %arg7[%swap3A_908, %swap3A_909], %swap3A_912 {strides = array<i32>} : memref<128x128xf32, #tpu.memory_space<vmem>>, vector<1x16xf32>,
      %swap3A_913 = arith.index_cast %add3A_845 : i32 to index
      %swap3A_914 = arith.constant 96 : index
      %swap3A_915 = tpu.vector_load %arg7[%swap3A_913, %swap3A_914] {strides = array<i32>} : memref<128x128xf32, #tpu.memory_space<vmem>>, vector<1x16xf32>,
      %swap3A_916 = vector.shape_cast %swap3A_915 : vector<1x16xf32> to vector<16xf32>
      %swap3A_917 = vector.shape_cast %scan3A_881#6 : vector<16xf32> to vector<1x16xf32>
      tpu.vector_store %arg7[%swap3A_913, %swap3A_914], %swap3A_917 {strides = array<i32>} : memref<128x128xf32, #tpu.memory_space<vmem>>, vector<1x16xf32>,
      %swap3A_918 = arith.index_cast %add3A_845 : i32 to index
      %swap3A_919 = arith.constant 112 : index
      %swap3A_920 = tpu.vector_load %arg7[%swap3A_918, %swap3A_919] {strides = array<i32>} : memref<128x128xf32, #tpu.memory_space<vmem>>, vector<1x16xf32>,
      %swap3A_921 = vector.shape_cast %swap3A_920 : vector<1x16xf32> to vector<16xf32>
      %swap3A_922 = vector.shape_cast %scan3A_881#7 : vector<16xf32> to vector<1x16xf32>
      tpu.vector_store %arg7[%swap3A_918, %swap3A_919], %swap3A_922 {strides = array<i32>} : memref<128x128xf32, #tpu.memory_space<vmem>>, vector<1x16xf32>,
      %add3A_923 = arith.constant 3 : i32
      %add3A_924 = arith.addi %add3A_845, %add3A_923 : i32
      %dma_start3A_925 = arith.constant 2 : i32
      %dma_start3A_926 = arith.constant 0 : i32
      %dma_start3A_927 = arith.constant 0 : i32
      %dma_start3A_928 = tpu.memref_slice %arg6[%dma_start3A_925, %dma_start3A_926, %dma_start3A_927] : memref<3x200x128xf32, #tpu.memory_space<vmem>> -> memref<1x64x128xf32, #tpu.memory_space<vmem>>
      %dma_start3A_929 = tpu.memref_squeeze %dma_start3A_928 : memref<1x64x128xf32, #tpu.memory_space<vmem>> -> memref<64x128xf32, #tpu.memory_space<vmem>>
      %dma_start3A_930 = arith.constant 0 : i32
      %dma_start3A_931 = tpu.memref_slice %arg5[%add3A_924, %dma_start3A_930] : memref<128x200xi32, #tpu.memory_space<vmem>> -> memref<1x64xi32, #tpu.memory_space<vmem>>
      %dma_start3A_932 = tpu.memref_squeeze %dma_start3A_931 : memref<1x64xi32, #tpu.memory_space<vmem>> -> memref<64xi32, #tpu.memory_space<vmem>>
      %dma_start3A_933 = arith.constant 0 : i32
      %dma_start3A_934 = arith.constant 0 : i32
      %dma_start3A_935 = tpu.memref_slice %arg3[%dma_start3A_933, %dma_start3A_934] : memref<1000000x128xf32, #tpu.memory_space<hbm>> -> memref<1000000x128xf32, #tpu.memory_space<hbm>>
      tpu.enqueue_indirect_dma source(%dma_start3A_935 : memref<1000000x128xf32, #tpu.memory_space<hbm>>) target(%dma_start3A_929 : memref<64x128xf32, #tpu.memory_space<vmem>>) offsets(%dma_start3A_932 : memref<64xi32, #tpu.memory_space<vmem>>) semaphore(%arg10 : memref<!tpu.dma_semaphore, #tpu.memory_space<semaphore_mem>>)
      %dma_start3A_936 = arith.constant 2 : i32
      %dma_start3A_937 = arith.constant 64 : i32
      %dma_start3A_938 = arith.constant 0 : i32
      %dma_start3A_939 = tpu.memref_slice %arg6[%dma_start3A_936, %dma_start3A_937, %dma_start3A_938] : memref<3x200x128xf32, #tpu.memory_space<vmem>> -> memref<1x64x128xf32, #tpu.memory_space<vmem>>
      %dma_start3A_940 = tpu.memref_squeeze %dma_start3A_939 : memref<1x64x128xf32, #tpu.memory_space<vmem>> -> memref<64x128xf32, #tpu.memory_space<vmem>>
      %dma_start3A_941 = arith.constant 64 : i32
      %dma_start3A_942 = tpu.memref_slice %arg5[%add3A_924, %dma_start3A_941] : memref<128x200xi32, #tpu.memory_space<vmem>> -> memref<1x64xi32, #tpu.memory_space<vmem>>
      %dma_start3A_943 = tpu.memref_squeeze %dma_start3A_942 : memref<1x64xi32, #tpu.memory_space<vmem>> -> memref<64xi32, #tpu.memory_space<vmem>>
      %dma_start3A_944 = arith.constant 0 : i32
      %dma_start3A_945 = arith.constant 0 : i32
      %dma_start3A_946 = tpu.memref_slice %arg3[%dma_start3A_944, %dma_start3A_945] : memref<1000000x128xf32, #tpu.memory_space<hbm>> -> memref<1000000x128xf32, #tpu.memory_space<hbm>>
      tpu.enqueue_indirect_dma source(%dma_start3A_946 : memref<1000000x128xf32, #tpu.memory_space<hbm>>) target(%dma_start3A_940 : memref<64x128xf32, #tpu.memory_space<vmem>>) offsets(%dma_start3A_943 : memref<64xi32, #tpu.memory_space<vmem>>) semaphore(%arg10 : memref<!tpu.dma_semaphore, #tpu.memory_space<semaphore_mem>>)
      %dma_start3A_947 = arith.constant 2 : i32
      %dma_start3A_948 = arith.constant 128 : i32
      %dma_start3A_949 = arith.constant 0 : i32
      %dma_start3A_950 = tpu.memref_slice %arg6[%dma_start3A_947, %dma_start3A_948, %dma_start3A_949] : memref<3x200x128xf32, #tpu.memory_space<vmem>> -> memref<1x72x128xf32, #tpu.memory_space<vmem>>
      %dma_start3A_951 = tpu.memref_squeeze %dma_start3A_950 : memref<1x72x128xf32, #tpu.memory_space<vmem>> -> memref<72x128xf32, #tpu.memory_space<vmem>>
      %dma_start3A_952 = arith.constant 128 : i32
      %dma_start3A_953 = tpu.memref_slice %arg5[%add3A_924, %dma_start3A_952] : memref<128x200xi32, #tpu.memory_space<vmem>> -> memref<1x72xi32, #tpu.memory_space<vmem>>
      %dma_start3A_954 = tpu.memref_squeeze %dma_start3A_953 : memref<1x72xi32, #tpu.memory_space<vmem>> -> memref<72xi32, #tpu.memory_space<vmem>>
      %dma_start3A_955 = arith.constant 0 : i32
      %dma_start3A_956 = arith.constant 0 : i32
      %dma_start3A_957 = tpu.memref_slice %arg3[%dma_start3A_955, %dma_start3A_956] : memref<1000000x128xf32, #tpu.memory_space<hbm>> -> memref<1000000x128xf32, #tpu.memory_space<hbm>>
      tpu.enqueue_indirect_dma source(%dma_start3A_957 : memref<1000000x128xf32, #tpu.memory_space<hbm>>) target(%dma_start3A_951 : memref<72x128xf32, #tpu.memory_space<vmem>>) offsets(%dma_start3A_954 : memref<72xi32, #tpu.memory_space<vmem>>) semaphore(%arg10 : memref<!tpu.dma_semaphore, #tpu.memory_space<semaphore_mem>>)
    }
    %scan3A_114 = arith.constant 41 : i32
    %dma_wait3A = arith.constant 0 : i32
    %dma_wait3A_115 = arith.constant 0 : i32
    %dma_wait3A_116 = arith.constant 0 : i32
    %dma_wait3A_117 = tpu.memref_slice %arg6[%dma_wait3A, %dma_wait3A_115, %dma_wait3A_116] : memref<3x200x128xf32, #tpu.memory_space<vmem>> -> memref<1x200x128xf32, #tpu.memory_space<vmem>>
    %dma_wait3A_118 = tpu.memref_squeeze %dma_wait3A_117 : memref<1x200x128xf32, #tpu.memory_space<vmem>> -> memref<200x128xf32, #tpu.memory_space<vmem>>
    %dma_wait3A_119 = arith.constant 0 : i32
    %dma_wait3A_120 = arith.constant 0 : i32
    %dma_wait3A_121 = tpu.memref_slice %arg3[%dma_wait3A_119, %dma_wait3A_120] : memref<1000000x128xf32, #tpu.memory_space<hbm>> -> memref<200x128xf32, #tpu.memory_space<hbm>>
    %dma_wait3A_122 = arith.constant 0 : i32
    %dma_wait3A_123 = arith.constant 0 : i32
    %dma_wait3A_124 = tpu.memref_slice %arg6[%dma_wait3A, %dma_wait3A_122, %dma_wait3A_123] : memref<3x200x128xf32, #tpu.memory_space<vmem>> -> memref<1x200x128xf32, #tpu.memory_space<vmem>>
    %dma_wait3A_125 = tpu.memref_squeeze %dma_wait3A_124 : memref<1x200x128xf32, #tpu.memory_space<vmem>> -> memref<200x128xf32, #tpu.memory_space<vmem>>
    %dma_wait3A_126 = arith.constant 0 : i32
    %dma_wait3A_127 = arith.constant 0 : i32
    %dma_wait3A_128 = tpu.memref_slice %arg3[%dma_wait3A_126, %dma_wait3A_127] : memref<1000000x128xf32, #tpu.memory_space<hbm>> -> memref<200x128xf32, #tpu.memory_space<hbm>>
    tpu.wait_dma2 semaphore(%arg8 : memref<!tpu.dma_semaphore, #tpu.memory_space<semaphore_mem>>) src(%dma_wait3A_128 : memref<200x128xf32, #tpu.memory_space<hbm>>) dst(%dma_wait3A_125 : memref<200x128xf32, #tpu.memory_space<vmem>>)
    %broadcast_in_dim3A = arith.constant 0.000000e+00 : f32
    %broadcast_in_dim3A_129 = vector.broadcast %broadcast_in_dim3A : f32 to vector<16xf32>
    %broadcast_in_dim3A_130 = arith.constant 0.000000e+00 : f32
    %broadcast_in_dim3A_131 = vector.broadcast %broadcast_in_dim3A_130 : f32 to vector<16xf32>
    %broadcast_in_dim3A_132 = arith.constant 0.000000e+00 : f32
    %broadcast_in_dim3A_133 = vector.broadcast %broadcast_in_dim3A_132 : f32 to vector<16xf32>
    %broadcast_in_dim3A_134 = arith.constant 0.000000e+00 : f32
    %broadcast_in_dim3A_135 = vector.broadcast %broadcast_in_dim3A_134 : f32 to vector<16xf32>
    %broadcast_in_dim3A_136 = arith.constant 0.000000e+00 : f32
    %broadcast_in_dim3A_137 = vector.broadcast %broadcast_in_dim3A_136 : f32 to vector<16xf32>
    %broadcast_in_dim3A_138 = arith.constant 0.000000e+00 : f32
    %broadcast_in_dim3A_139 = vector.broadcast %broadcast_in_dim3A_138 : f32 to vector<16xf32>
    %broadcast_in_dim3A_140 = arith.constant 0.000000e+00 : f32
    %broadcast_in_dim3A_141 = vector.broadcast %broadcast_in_dim3A_140 : f32 to vector<16xf32>
    %broadcast_in_dim3A_142 = arith.constant 0.000000e+00 : f32
    %broadcast_in_dim3A_143 = vector.broadcast %broadcast_in_dim3A_142 : f32 to vector<16xf32>
    %scan3A_144 = arith.constant 0 : i32
    %scan3A_145 = arith.constant 200 : i32
    %scan3A_146 = arith.addi %scan3A_144, %scan3A_145 : i32
    %scan3A_147 = arith.constant 1 : i32
    %scan3A_148:8 = scf.for %scan3A_609 = %scan3A_144 to %scan3A_146 step %scan3A_147 iter_args(%scan3A_610 = %broadcast_in_dim3A_129, %scan3A_611 = %broadcast_in_dim3A_131, %scan3A_612 = %broadcast_in_dim3A_133, %scan3A_613 = %broadcast_in_dim3A_135, %scan3A_614 = %broadcast_in_dim3A_137, %scan3A_615 = %broadcast_in_dim3A_139, %scan3A_616 = %broadcast_in_dim3A_141, %scan3A_617 = %broadcast_in_dim3A_143) -> (vector<16xf32>, vector<16xf32>, vector<16xf32>, vector<16xf32>, vector<16xf32>, vector<16xf32>, vector<16xf32>, vector<16xf32>)  : i32 {
      %get3A = arith.constant 0 : i32
      %get3A_618 = arith.index_cast %get3A : i32 to index
      %get3A_619 = arith.index_cast %scan3A_609 : i32 to index
      %get3A_620 = arith.constant 0 : index
      %get3A_621 = tpu.vector_load %arg6[%get3A_618, %get3A_619, %get3A_620] {strides = array<i32>} : memref<3x200x128xf32, #tpu.memory_space<vmem>>, vector<1x1x16xf32>,
      %get3A_622 = vector.shape_cast %get3A_621 : vector<1x1x16xf32> to vector<16xf32>
      %add3A_623 = arith.addf %scan3A_610, %get3A_622 : vector<16xf32>
      %get3A_624 = arith.constant 0 : i32
      %get3A_625 = arith.index_cast %get3A_624 : i32 to index
      %get3A_626 = arith.index_cast %scan3A_609 : i32 to index
      %get3A_627 = arith.constant 16 : index
      %get3A_628 = tpu.vector_load %arg6[%get3A_625, %get3A_626, %get3A_627] {strides = array<i32>} : memref<3x200x128xf32, #tpu.memory_space<vmem>>, vector<1x1x16xf32>,
      %get3A_629 = vector.shape_cast %get3A_628 : vector<1x1x16xf32> to vector<16xf32>
      %add3A_630 = arith.addf %scan3A_611, %get3A_629 : vector<16xf32>
      %get3A_631 = arith.constant 0 : i32
      %get3A_632 = arith.index_cast %get3A_631 : i32 to index
      %get3A_633 = arith.index_cast %scan3A_609 : i32 to index
      %get3A_634 = arith.constant 32 : index
      %get3A_635 = tpu.vector_load %arg6[%get3A_632, %get3A_633, %get3A_634] {strides = array<i32>} : memref<3x200x128xf32, #tpu.memory_space<vmem>>, vector<1x1x16xf32>,
      %get3A_636 = vector.shape_cast %get3A_635 : vector<1x1x16xf32> to vector<16xf32>
      %add3A_637 = arith.addf %scan3A_612, %get3A_636 : vector<16xf32>
      %get3A_638 = arith.constant 0 : i32
      %get3A_639 = arith.index_cast %get3A_638 : i32 to index
      %get3A_640 = arith.index_cast %scan3A_609 : i32 to index
      %get3A_641 = arith.constant 48 : index
      %get3A_642 = tpu.vector_load %arg6[%get3A_639, %get3A_640, %get3A_641] {strides = array<i32>} : memref<3x200x128xf32, #tpu.memory_space<vmem>>, vector<1x1x16xf32>,
      %get3A_643 = vector.shape_cast %get3A_642 : vector<1x1x16xf32> to vector<16xf32>
      %add3A_644 = arith.addf %scan3A_613, %get3A_643 : vector<16xf32>
      %get3A_645 = arith.constant 0 : i32
      %get3A_646 = arith.index_cast %get3A_645 : i32 to index
      %get3A_647 = arith.index_cast %scan3A_609 : i32 to index
      %get3A_648 = arith.constant 64 : index
      %get3A_649 = tpu.vector_load %arg6[%get3A_646, %get3A_647, %get3A_648] {strides = array<i32>} : memref<3x200x128xf32, #tpu.memory_space<vmem>>, vector<1x1x16xf32>,
      %get3A_650 = vector.shape_cast %get3A_649 : vector<1x1x16xf32> to vector<16xf32>
      %add3A_651 = arith.addf %scan3A_614, %get3A_650 : vector<16xf32>
      %get3A_652 = arith.constant 0 : i32
      %get3A_653 = arith.index_cast %get3A_652 : i32 to index
      %get3A_654 = arith.index_cast %scan3A_609 : i32 to index
      %get3A_655 = arith.constant 80 : index
      %get3A_656 = tpu.vector_load %arg6[%get3A_653, %get3A_654, %get3A_655] {strides = array<i32>} : memref<3x200x128xf32, #tpu.memory_space<vmem>>, vector<1x1x16xf32>,
      %get3A_657 = vector.shape_cast %get3A_656 : vector<1x1x16xf32> to vector<16xf32>
      %add3A_658 = arith.addf %scan3A_615, %get3A_657 : vector<16xf32>
      %get3A_659 = arith.constant 0 : i32
      %get3A_660 = arith.index_cast %get3A_659 : i32 to index
      %get3A_661 = arith.index_cast %scan3A_609 : i32 to index
      %get3A_662 = arith.constant 96 : index
      %get3A_663 = tpu.vector_load %arg6[%get3A_660, %get3A_661, %get3A_662] {strides = array<i32>} : memref<3x200x128xf32, #tpu.memory_space<vmem>>, vector<1x1x16xf32>,
      %get3A_664 = vector.shape_cast %get3A_663 : vector<1x1x16xf32> to vector<16xf32>
      %add3A_665 = arith.addf %scan3A_616, %get3A_664 : vector<16xf32>
      %get3A_666 = arith.constant 0 : i32
      %get3A_667 = arith.index_cast %get3A_666 : i32 to index
      %get3A_668 = arith.index_cast %scan3A_609 : i32 to index
      %get3A_669 = arith.constant 112 : index
      %get3A_670 = tpu.vector_load %arg6[%get3A_667, %get3A_668, %get3A_669] {strides = array<i32>} : memref<3x200x128xf32, #tpu.memory_space<vmem>>, vector<1x1x16xf32>,
      %get3A_671 = vector.shape_cast %get3A_670 : vector<1x1x16xf32> to vector<16xf32>
      %add3A_672 = arith.addf %scan3A_617, %get3A_671 : vector<16xf32>
      scf.yield %add3A_623, %add3A_630, %add3A_637, %add3A_644, %add3A_651, %add3A_658, %add3A_665, %add3A_672 : vector<16xf32>, vector<16xf32>, vector<16xf32>, vector<16xf32>, vector<16xf32>, vector<16xf32>, vector<16xf32>, vector<16xf32>
    }
    %scan3A_149 = arith.constant 200 : i32
    %swap3A = arith.constant 123 : i32
    %swap3A_150 = arith.index_cast %swap3A : i32 to index
    %swap3A_151 = arith.constant 0 : index
    %swap3A_152 = tpu.vector_load %arg7[%swap3A_150, %swap3A_151] {strides = array<i32>} : memref<128x128xf32, #tpu.memory_space<vmem>>, vector<1x16xf32>,
    %swap3A_153 = vector.shape_cast %swap3A_152 : vector<1x16xf32> to vector<16xf32>
    %swap3A_154 = vector.shape_cast %scan3A_148#0 : vector<16xf32> to vector<1x16xf32>
    tpu.vector_store %arg7[%swap3A_150, %swap3A_151], %swap3A_154 {strides = array<i32>} : memref<128x128xf32, #tpu.memory_space<vmem>>, vector<1x16xf32>,
    %swap3A_155 = arith.constant 123 : i32
    %swap3A_156 = arith.index_cast %swap3A_155 : i32 to index
    %swap3A_157 = arith.constant 16 : index
    %swap3A_158 = tpu.vector_load %arg7[%swap3A_156, %swap3A_157] {strides = array<i32>} : memref<128x128xf32, #tpu.memory_space<vmem>>, vector<1x16xf32>,
    %swap3A_159 = vector.shape_cast %swap3A_158 : vector<1x16xf32> to vector<16xf32>
    %swap3A_160 = vector.shape_cast %scan3A_148#1 : vector<16xf32> to vector<1x16xf32>
    tpu.vector_store %arg7[%swap3A_156, %swap3A_157], %swap3A_160 {strides = array<i32>} : memref<128x128xf32, #tpu.memory_space<vmem>>, vector<1x16xf32>,
    %swap3A_161 = arith.constant 123 : i32
    %swap3A_162 = arith.index_cast %swap3A_161 : i32 to index
    %swap3A_163 = arith.constant 32 : index
    %swap3A_164 = tpu.vector_load %arg7[%swap3A_162, %swap3A_163] {strides = array<i32>} : memref<128x128xf32, #tpu.memory_space<vmem>>, vector<1x16xf32>,
    %swap3A_165 = vector.shape_cast %swap3A_164 : vector<1x16xf32> to vector<16xf32>
    %swap3A_166 = vector.shape_cast %scan3A_148#2 : vector<16xf32> to vector<1x16xf32>
    tpu.vector_store %arg7[%swap3A_162, %swap3A_163], %swap3A_166 {strides = array<i32>} : memref<128x128xf32, #tpu.memory_space<vmem>>, vector<1x16xf32>,
    %swap3A_167 = arith.constant 123 : i32
    %swap3A_168 = arith.index_cast %swap3A_167 : i32 to index
    %swap3A_169 = arith.constant 48 : index
    %swap3A_170 = tpu.vector_load %arg7[%swap3A_168, %swap3A_169] {strides = array<i32>} : memref<128x128xf32, #tpu.memory_space<vmem>>, vector<1x16xf32>,
    %swap3A_171 = vector.shape_cast %swap3A_170 : vector<1x16xf32> to vector<16xf32>
    %swap3A_172 = vector.shape_cast %scan3A_148#3 : vector<16xf32> to vector<1x16xf32>
    tpu.vector_store %arg7[%swap3A_168, %swap3A_169], %swap3A_172 {strides = array<i32>} : memref<128x128xf32, #tpu.memory_space<vmem>>, vector<1x16xf32>,
    %swap3A_173 = arith.constant 123 : i32
    %swap3A_174 = arith.index_cast %swap3A_173 : i32 to index
    %swap3A_175 = arith.constant 64 : index
    %swap3A_176 = tpu.vector_load %arg7[%swap3A_174, %swap3A_175] {strides = array<i32>} : memref<128x128xf32, #tpu.memory_space<vmem>>, vector<1x16xf32>,
    %swap3A_177 = vector.shape_cast %swap3A_176 : vector<1x16xf32> to vector<16xf32>
    %swap3A_178 = vector.shape_cast %scan3A_148#4 : vector<16xf32> to vector<1x16xf32>
    tpu.vector_store %arg7[%swap3A_174, %swap3A_175], %swap3A_178 {strides = array<i32>} : memref<128x128xf32, #tpu.memory_space<vmem>>, vector<1x16xf32>,
    %swap3A_179 = arith.constant 123 : i32
    %swap3A_180 = arith.index_cast %swap3A_179 : i32 to index
    %swap3A_181 = arith.constant 80 : index
    %swap3A_182 = tpu.vector_load %arg7[%swap3A_180, %swap3A_181] {strides = array<i32>} : memref<128x128xf32, #tpu.memory_space<vmem>>, vector<1x16xf32>,
    %swap3A_183 = vector.shape_cast %swap3A_182 : vector<1x16xf32> to vector<16xf32>
    %swap3A_184 = vector.shape_cast %scan3A_148#5 : vector<16xf32> to vector<1x16xf32>
    tpu.vector_store %arg7[%swap3A_180, %swap3A_181], %swap3A_184 {strides = array<i32>} : memref<128x128xf32, #tpu.memory_space<vmem>>, vector<1x16xf32>,
    %swap3A_185 = arith.constant 123 : i32
    %swap3A_186 = arith.index_cast %swap3A_185 : i32 to index
    %swap3A_187 = arith.constant 96 : index
    %swap3A_188 = tpu.vector_load %arg7[%swap3A_186, %swap3A_187] {strides = array<i32>} : memref<128x128xf32, #tpu.memory_space<vmem>>, vector<1x16xf32>,
    %swap3A_189 = vector.shape_cast %swap3A_188 : vector<1x16xf32> to vector<16xf32>
    %swap3A_190 = vector.shape_cast %scan3A_148#6 : vector<16xf32> to vector<1x16xf32>
    tpu.vector_store %arg7[%swap3A_186, %swap3A_187], %swap3A_190 {strides = array<i32>} : memref<128x128xf32, #tpu.memory_space<vmem>>, vector<1x16xf32>,
    %swap3A_191 = arith.constant 123 : i32
    %swap3A_192 = arith.index_cast %swap3A_191 : i32 to index
    %swap3A_193 = arith.constant 112 : index
    %swap3A_194 = tpu.vector_load %arg7[%swap3A_192, %swap3A_193] {strides = array<i32>} : memref<128x128xf32, #tpu.memory_space<vmem>>, vector<1x16xf32>,
    %swap3A_195 = vector.shape_cast %swap3A_194 : vector<1x16xf32> to vector<16xf32>
    %swap3A_196 = vector.shape_cast %scan3A_148#7 : vector<16xf32> to vector<1x16xf32>
    tpu.vector_store %arg7[%swap3A_192, %swap3A_193], %swap3A_196 {strides = array<i32>} : memref<128x128xf32, #tpu.memory_space<vmem>>, vector<1x16xf32>,
    %dma_start3A_197 = arith.constant 126 : i32
    %dma_start3A_198 = arith.constant 0 : i32
    %dma_start3A_199 = arith.constant 0 : i32
    %dma_start3A_200 = arith.constant 0 : i32
    %dma_start3A_201 = tpu.memref_slice %arg6[%dma_start3A_198, %dma_start3A_199, %dma_start3A_200] : memref<3x200x128xf32, #tpu.memory_space<vmem>> -> memref<1x64x128xf32, #tpu.memory_space<vmem>>
    %dma_start3A_202 = tpu.memref_squeeze %dma_start3A_201 : memref<1x64x128xf32, #tpu.memory_space<vmem>> -> memref<64x128xf32, #tpu.memory_space<vmem>>
    %dma_start3A_203 = arith.constant 0 : i32
    %dma_start3A_204 = tpu.memref_slice %arg5[%dma_start3A_197, %dma_start3A_203] : memref<128x200xi32, #tpu.memory_space<vmem>> -> memref<1x64xi32, #tpu.memory_space<vmem>>
    %dma_start3A_205 = tpu.memref_squeeze %dma_start3A_204 : memref<1x64xi32, #tpu.memory_space<vmem>> -> memref<64xi32, #tpu.memory_space<vmem>>
    %dma_start3A_206 = arith.constant 0 : i32
    %dma_start3A_207 = arith.constant 0 : i32
    %dma_start3A_208 = tpu.memref_slice %arg3[%dma_start3A_206, %dma_start3A_207] : memref<1000000x128xf32, #tpu.memory_space<hbm>> -> memref<1000000x128xf32, #tpu.memory_space<hbm>>
    tpu.enqueue_indirect_dma source(%dma_start3A_208 : memref<1000000x128xf32, #tpu.memory_space<hbm>>) target(%dma_start3A_202 : memref<64x128xf32, #tpu.memory_space<vmem>>) offsets(%dma_start3A_205 : memref<64xi32, #tpu.memory_space<vmem>>) semaphore(%arg8 : memref<!tpu.dma_semaphore, #tpu.memory_space<semaphore_mem>>)
    %dma_start3A_209 = arith.constant 126 : i32
    %dma_start3A_210 = arith.constant 0 : i32
    %dma_start3A_211 = arith.constant 64 : i32
    %dma_start3A_212 = arith.constant 0 : i32
    %dma_start3A_213 = tpu.memref_slice %arg6[%dma_start3A_210, %dma_start3A_211, %dma_start3A_212] : memref<3x200x128xf32, #tpu.memory_space<vmem>> -> memref<1x64x128xf32, #tpu.memory_space<vmem>>
    %dma_start3A_214 = tpu.memref_squeeze %dma_start3A_213 : memref<1x64x128xf32, #tpu.memory_space<vmem>> -> memref<64x128xf32, #tpu.memory_space<vmem>>
    %dma_start3A_215 = arith.constant 64 : i32
    %dma_start3A_216 = tpu.memref_slice %arg5[%dma_start3A_209, %dma_start3A_215] : memref<128x200xi32, #tpu.memory_space<vmem>> -> memref<1x64xi32, #tpu.memory_space<vmem>>
    %dma_start3A_217 = tpu.memref_squeeze %dma_start3A_216 : memref<1x64xi32, #tpu.memory_space<vmem>> -> memref<64xi32, #tpu.memory_space<vmem>>
    %dma_start3A_218 = arith.constant 0 : i32
    %dma_start3A_219 = arith.constant 0 : i32
    %dma_start3A_220 = tpu.memref_slice %arg3[%dma_start3A_218, %dma_start3A_219] : memref<1000000x128xf32, #tpu.memory_space<hbm>> -> memref<1000000x128xf32, #tpu.memory_space<hbm>>
    tpu.enqueue_indirect_dma source(%dma_start3A_220 : memref<1000000x128xf32, #tpu.memory_space<hbm>>) target(%dma_start3A_214 : memref<64x128xf32, #tpu.memory_space<vmem>>) offsets(%dma_start3A_217 : memref<64xi32, #tpu.memory_space<vmem>>) semaphore(%arg8 : memref<!tpu.dma_semaphore, #tpu.memory_space<semaphore_mem>>)
    %dma_start3A_221 = arith.constant 126 : i32
    %dma_start3A_222 = arith.constant 0 : i32
    %dma_start3A_223 = arith.constant 128 : i32
    %dma_start3A_224 = arith.constant 0 : i32
    %dma_start3A_225 = tpu.memref_slice %arg6[%dma_start3A_222, %dma_start3A_223, %dma_start3A_224] : memref<3x200x128xf32, #tpu.memory_space<vmem>> -> memref<1x72x128xf32, #tpu.memory_space<vmem>>
    %dma_start3A_226 = tpu.memref_squeeze %dma_start3A_225 : memref<1x72x128xf32, #tpu.memory_space<vmem>> -> memref<72x128xf32, #tpu.memory_space<vmem>>
    %dma_start3A_227 = arith.constant 128 : i32
    %dma_start3A_228 = tpu.memref_slice %arg5[%dma_start3A_221, %dma_start3A_227] : memref<128x200xi32, #tpu.memory_space<vmem>> -> memref<1x72xi32, #tpu.memory_space<vmem>>
    %dma_start3A_229 = tpu.memref_squeeze %dma_start3A_228 : memref<1x72xi32, #tpu.memory_space<vmem>> -> memref<72xi32, #tpu.memory_space<vmem>>
    %dma_start3A_230 = arith.constant 0 : i32
    %dma_start3A_231 = arith.constant 0 : i32
    %dma_start3A_232 = tpu.memref_slice %arg3[%dma_start3A_230, %dma_start3A_231] : memref<1000000x128xf32, #tpu.memory_space<hbm>> -> memref<1000000x128xf32, #tpu.memory_space<hbm>>
    tpu.enqueue_indirect_dma source(%dma_start3A_232 : memref<1000000x128xf32, #tpu.memory_space<hbm>>) target(%dma_start3A_226 : memref<72x128xf32, #tpu.memory_space<vmem>>) offsets(%dma_start3A_229 : memref<72xi32, #tpu.memory_space<vmem>>) semaphore(%arg8 : memref<!tpu.dma_semaphore, #tpu.memory_space<semaphore_mem>>)
    %dma_wait3A_233 = arith.constant 1 : i32
    %dma_wait3A_234 = arith.constant 0 : i32
    %dma_wait3A_235 = arith.constant 0 : i32
    %dma_wait3A_236 = tpu.memref_slice %arg6[%dma_wait3A_233, %dma_wait3A_234, %dma_wait3A_235] : memref<3x200x128xf32, #tpu.memory_space<vmem>> -> memref<1x200x128xf32, #tpu.memory_space<vmem>>
    %dma_wait3A_237 = tpu.memref_squeeze %dma_wait3A_236 : memref<1x200x128xf32, #tpu.memory_space<vmem>> -> memref<200x128xf32, #tpu.memory_space<vmem>>
    %dma_wait3A_238 = arith.constant 0 : i32
    %dma_wait3A_239 = arith.constant 0 : i32
    %dma_wait3A_240 = tpu.memref_slice %arg3[%dma_wait3A_238, %dma_wait3A_239] : memref<1000000x128xf32, #tpu.memory_space<hbm>> -> memref<200x128xf32, #tpu.memory_space<hbm>>
    %dma_wait3A_241 = arith.constant 0 : i32
    %dma_wait3A_242 = arith.constant 0 : i32
    %dma_wait3A_243 = tpu.memref_slice %arg6[%dma_wait3A_233, %dma_wait3A_241, %dma_wait3A_242] : memref<3x200x128xf32, #tpu.memory_space<vmem>> -> memref<1x200x128xf32, #tpu.memory_space<vmem>>
    %dma_wait3A_244 = tpu.memref_squeeze %dma_wait3A_243 : memref<1x200x128xf32, #tpu.memory_space<vmem>> -> memref<200x128xf32, #tpu.memory_space<vmem>>
    %dma_wait3A_245 = arith.constant 0 : i32
    %dma_wait3A_246 = arith.constant 0 : i32
    %dma_wait3A_247 = tpu.memref_slice %arg3[%dma_wait3A_245, %dma_wait3A_246] : memref<1000000x128xf32, #tpu.memory_space<hbm>> -> memref<200x128xf32, #tpu.memory_space<hbm>>
    tpu.wait_dma2 semaphore(%arg9 : memref<!tpu.dma_semaphore, #tpu.memory_space<semaphore_mem>>) src(%dma_wait3A_247 : memref<200x128xf32, #tpu.memory_space<hbm>>) dst(%dma_wait3A_244 : memref<200x128xf32, #tpu.memory_space<vmem>>)
    %broadcast_in_dim3A_248 = arith.constant 0.000000e+00 : f32
    %broadcast_in_dim3A_249 = vector.broadcast %broadcast_in_dim3A_248 : f32 to vector<16xf32>
    %broadcast_in_dim3A_250 = arith.constant 0.000000e+00 : f32
    %broadcast_in_dim3A_251 = vector.broadcast %broadcast_in_dim3A_250 : f32 to vector<16xf32>
    %broadcast_in_dim3A_252 = arith.constant 0.000000e+00 : f32
    %broadcast_in_dim3A_253 = vector.broadcast %broadcast_in_dim3A_252 : f32 to vector<16xf32>
    %broadcast_in_dim3A_254 = arith.constant 0.000000e+00 : f32
    %broadcast_in_dim3A_255 = vector.broadcast %broadcast_in_dim3A_254 : f32 to vector<16xf32>
    %broadcast_in_dim3A_256 = arith.constant 0.000000e+00 : f32
    %broadcast_in_dim3A_257 = vector.broadcast %broadcast_in_dim3A_256 : f32 to vector<16xf32>
    %broadcast_in_dim3A_258 = arith.constant 0.000000e+00 : f32
    %broadcast_in_dim3A_259 = vector.broadcast %broadcast_in_dim3A_258 : f32 to vector<16xf32>
    %broadcast_in_dim3A_260 = arith.constant 0.000000e+00 : f32
    %broadcast_in_dim3A_261 = vector.broadcast %broadcast_in_dim3A_260 : f32 to vector<16xf32>
    %broadcast_in_dim3A_262 = arith.constant 0.000000e+00 : f32
    %broadcast_in_dim3A_263 = vector.broadcast %broadcast_in_dim3A_262 : f32 to vector<16xf32>
    %scan3A_264 = arith.constant 0 : i32
    %scan3A_265 = arith.constant 200 : i32
    %scan3A_266 = arith.addi %scan3A_264, %scan3A_265 : i32
    %scan3A_267 = arith.constant 1 : i32
    %scan3A_268:8 = scf.for %scan3A_609 = %scan3A_264 to %scan3A_266 step %scan3A_267 iter_args(%scan3A_610 = %broadcast_in_dim3A_249, %scan3A_611 = %broadcast_in_dim3A_251, %scan3A_612 = %broadcast_in_dim3A_253, %scan3A_613 = %broadcast_in_dim3A_255, %scan3A_614 = %broadcast_in_dim3A_257, %scan3A_615 = %broadcast_in_dim3A_259, %scan3A_616 = %broadcast_in_dim3A_261, %scan3A_617 = %broadcast_in_dim3A_263) -> (vector<16xf32>, vector<16xf32>, vector<16xf32>, vector<16xf32>, vector<16xf32>, vector<16xf32>, vector<16xf32>, vector<16xf32>)  : i32 {
      %get3A = arith.constant 1 : i32
      %get3A_618 = arith.index_cast %get3A : i32 to index
      %get3A_619 = arith.index_cast %scan3A_609 : i32 to index
      %get3A_620 = arith.constant 0 : index
      %get3A_621 = tpu.vector_load %arg6[%get3A_618, %get3A_619, %get3A_620] {strides = array<i32>} : memref<3x200x128xf32, #tpu.memory_space<vmem>>, vector<1x1x16xf32>,
      %get3A_622 = vector.shape_cast %get3A_621 : vector<1x1x16xf32> to vector<16xf32>
      %add3A_623 = arith.addf %scan3A_610, %get3A_622 : vector<16xf32>
      %get3A_624 = arith.constant 1 : i32
      %get3A_625 = arith.index_cast %get3A_624 : i32 to index
      %get3A_626 = arith.index_cast %scan3A_609 : i32 to index
      %get3A_627 = arith.constant 16 : index
      %get3A_628 = tpu.vector_load %arg6[%get3A_625, %get3A_626, %get3A_627] {strides = array<i32>} : memref<3x200x128xf32, #tpu.memory_space<vmem>>, vector<1x1x16xf32>,
      %get3A_629 = vector.shape_cast %get3A_628 : vector<1x1x16xf32> to vector<16xf32>
      %add3A_630 = arith.addf %scan3A_611, %get3A_629 : vector<16xf32>
      %get3A_631 = arith.constant 1 : i32
      %get3A_632 = arith.index_cast %get3A_631 : i32 to index
      %get3A_633 = arith.index_cast %scan3A_609 : i32 to index
      %get3A_634 = arith.constant 32 : index
      %get3A_635 = tpu.vector_load %arg6[%get3A_632, %get3A_633, %get3A_634] {strides = array<i32>} : memref<3x200x128xf32, #tpu.memory_space<vmem>>, vector<1x1x16xf32>,
      %get3A_636 = vector.shape_cast %get3A_635 : vector<1x1x16xf32> to vector<16xf32>
      %add3A_637 = arith.addf %scan3A_612, %get3A_636 : vector<16xf32>
      %get3A_638 = arith.constant 1 : i32
      %get3A_639 = arith.index_cast %get3A_638 : i32 to index
      %get3A_640 = arith.index_cast %scan3A_609 : i32 to index
      %get3A_641 = arith.constant 48 : index
      %get3A_642 = tpu.vector_load %arg6[%get3A_639, %get3A_640, %get3A_641] {strides = array<i32>} : memref<3x200x128xf32, #tpu.memory_space<vmem>>, vector<1x1x16xf32>,
      %get3A_643 = vector.shape_cast %get3A_642 : vector<1x1x16xf32> to vector<16xf32>
      %add3A_644 = arith.addf %scan3A_613, %get3A_643 : vector<16xf32>
      %get3A_645 = arith.constant 1 : i32
      %get3A_646 = arith.index_cast %get3A_645 : i32 to index
      %get3A_647 = arith.index_cast %scan3A_609 : i32 to index
      %get3A_648 = arith.constant 64 : index
      %get3A_649 = tpu.vector_load %arg6[%get3A_646, %get3A_647, %get3A_648] {strides = array<i32>} : memref<3x200x128xf32, #tpu.memory_space<vmem>>, vector<1x1x16xf32>,
      %get3A_650 = vector.shape_cast %get3A_649 : vector<1x1x16xf32> to vector<16xf32>
      %add3A_651 = arith.addf %scan3A_614, %get3A_650 : vector<16xf32>
      %get3A_652 = arith.constant 1 : i32
      %get3A_653 = arith.index_cast %get3A_652 : i32 to index
      %get3A_654 = arith.index_cast %scan3A_609 : i32 to index
      %get3A_655 = arith.constant 80 : index
      %get3A_656 = tpu.vector_load %arg6[%get3A_653, %get3A_654, %get3A_655] {strides = array<i32>} : memref<3x200x128xf32, #tpu.memory_space<vmem>>, vector<1x1x16xf32>,
      %get3A_657 = vector.shape_cast %get3A_656 : vector<1x1x16xf32> to vector<16xf32>
      %add3A_658 = arith.addf %scan3A_615, %get3A_657 : vector<16xf32>
      %get3A_659 = arith.constant 1 : i32
      %get3A_660 = arith.index_cast %get3A_659 : i32 to index
      %get3A_661 = arith.index_cast %scan3A_609 : i32 to index
      %get3A_662 = arith.constant 96 : index
      %get3A_663 = tpu.vector_load %arg6[%get3A_660, %get3A_661, %get3A_662] {strides = array<i32>} : memref<3x200x128xf32, #tpu.memory_space<vmem>>, vector<1x1x16xf32>,
      %get3A_664 = vector.shape_cast %get3A_663 : vector<1x1x16xf32> to vector<16xf32>
      %add3A_665 = arith.addf %scan3A_616, %get3A_664 : vector<16xf32>
      %get3A_666 = arith.constant 1 : i32
      %get3A_667 = arith.index_cast %get3A_666 : i32 to index
      %get3A_668 = arith.index_cast %scan3A_609 : i32 to index
      %get3A_669 = arith.constant 112 : index
      %get3A_670 = tpu.vector_load %arg6[%get3A_667, %get3A_668, %get3A_669] {strides = array<i32>} : memref<3x200x128xf32, #tpu.memory_space<vmem>>, vector<1x1x16xf32>,
      %get3A_671 = vector.shape_cast %get3A_670 : vector<1x1x16xf32> to vector<16xf32>
      %add3A_672 = arith.addf %scan3A_617, %get3A_671 : vector<16xf32>
      scf.yield %add3A_623, %add3A_630, %add3A_637, %add3A_644, %add3A_651, %add3A_658, %add3A_665, %add3A_672 : vector<16xf32>, vector<16xf32>, vector<16xf32>, vector<16xf32>, vector<16xf32>, vector<16xf32>, vector<16xf32>, vector<16xf32>
    }
    %scan3A_269 = arith.constant 200 : i32
    %swap3A_270 = arith.constant 124 : i32
    %swap3A_271 = arith.index_cast %swap3A_270 : i32 to index
    %swap3A_272 = arith.constant 0 : index
    %swap3A_273 = tpu.vector_load %arg7[%swap3A_271, %swap3A_272] {strides = array<i32>} : memref<128x128xf32, #tpu.memory_space<vmem>>, vector<1x16xf32>,
    %swap3A_274 = vector.shape_cast %swap3A_273 : vector<1x16xf32> to vector<16xf32>
    %swap3A_275 = vector.shape_cast %scan3A_268#0 : vector<16xf32> to vector<1x16xf32>
    tpu.vector_store %arg7[%swap3A_271, %swap3A_272], %swap3A_275 {strides = array<i32>} : memref<128x128xf32, #tpu.memory_space<vmem>>, vector<1x16xf32>,
    %swap3A_276 = arith.constant 124 : i32
    %swap3A_277 = arith.index_cast %swap3A_276 : i32 to index
    %swap3A_278 = arith.constant 16 : index
    %swap3A_279 = tpu.vector_load %arg7[%swap3A_277, %swap3A_278] {strides = array<i32>} : memref<128x128xf32, #tpu.memory_space<vmem>>, vector<1x16xf32>,
    %swap3A_280 = vector.shape_cast %swap3A_279 : vector<1x16xf32> to vector<16xf32>
    %swap3A_281 = vector.shape_cast %scan3A_268#1 : vector<16xf32> to vector<1x16xf32>
    tpu.vector_store %arg7[%swap3A_277, %swap3A_278], %swap3A_281 {strides = array<i32>} : memref<128x128xf32, #tpu.memory_space<vmem>>, vector<1x16xf32>,
    %swap3A_282 = arith.constant 124 : i32
    %swap3A_283 = arith.index_cast %swap3A_282 : i32 to index
    %swap3A_284 = arith.constant 32 : index
    %swap3A_285 = tpu.vector_load %arg7[%swap3A_283, %swap3A_284] {strides = array<i32>} : memref<128x128xf32, #tpu.memory_space<vmem>>, vector<1x16xf32>,
    %swap3A_286 = vector.shape_cast %swap3A_285 : vector<1x16xf32> to vector<16xf32>
    %swap3A_287 = vector.shape_cast %scan3A_268#2 : vector<16xf32> to vector<1x16xf32>
    tpu.vector_store %arg7[%swap3A_283, %swap3A_284], %swap3A_287 {strides = array<i32>} : memref<128x128xf32, #tpu.memory_space<vmem>>, vector<1x16xf32>,
    %swap3A_288 = arith.constant 124 : i32
    %swap3A_289 = arith.index_cast %swap3A_288 : i32 to index
    %swap3A_290 = arith.constant 48 : index
    %swap3A_291 = tpu.vector_load %arg7[%swap3A_289, %swap3A_290] {strides = array<i32>} : memref<128x128xf32, #tpu.memory_space<vmem>>, vector<1x16xf32>,
    %swap3A_292 = vector.shape_cast %swap3A_291 : vector<1x16xf32> to vector<16xf32>
    %swap3A_293 = vector.shape_cast %scan3A_268#3 : vector<16xf32> to vector<1x16xf32>
    tpu.vector_store %arg7[%swap3A_289, %swap3A_290], %swap3A_293 {strides = array<i32>} : memref<128x128xf32, #tpu.memory_space<vmem>>, vector<1x16xf32>,
    %swap3A_294 = arith.constant 124 : i32
    %swap3A_295 = arith.index_cast %swap3A_294 : i32 to index
    %swap3A_296 = arith.constant 64 : index
    %swap3A_297 = tpu.vector_load %arg7[%swap3A_295, %swap3A_296] {strides = array<i32>} : memref<128x128xf32, #tpu.memory_space<vmem>>, vector<1x16xf32>,
    %swap3A_298 = vector.shape_cast %swap3A_297 : vector<1x16xf32> to vector<16xf32>
    %swap3A_299 = vector.shape_cast %scan3A_268#4 : vector<16xf32> to vector<1x16xf32>
    tpu.vector_store %arg7[%swap3A_295, %swap3A_296], %swap3A_299 {strides = array<i32>} : memref<128x128xf32, #tpu.memory_space<vmem>>, vector<1x16xf32>,
    %swap3A_300 = arith.constant 124 : i32
    %swap3A_301 = arith.index_cast %swap3A_300 : i32 to index
    %swap3A_302 = arith.constant 80 : index
    %swap3A_303 = tpu.vector_load %arg7[%swap3A_301, %swap3A_302] {strides = array<i32>} : memref<128x128xf32, #tpu.memory_space<vmem>>, vector<1x16xf32>,
    %swap3A_304 = vector.shape_cast %swap3A_303 : vector<1x16xf32> to vector<16xf32>
    %swap3A_305 = vector.shape_cast %scan3A_268#5 : vector<16xf32> to vector<1x16xf32>
    tpu.vector_store %arg7[%swap3A_301, %swap3A_302], %swap3A_305 {strides = array<i32>} : memref<128x128xf32, #tpu.memory_space<vmem>>, vector<1x16xf32>,
    %swap3A_306 = arith.constant 124 : i32
    %swap3A_307 = arith.index_cast %swap3A_306 : i32 to index
    %swap3A_308 = arith.constant 96 : index
    %swap3A_309 = tpu.vector_load %arg7[%swap3A_307, %swap3A_308] {strides = array<i32>} : memref<128x128xf32, #tpu.memory_space<vmem>>, vector<1x16xf32>,
    %swap3A_310 = vector.shape_cast %swap3A_309 : vector<1x16xf32> to vector<16xf32>
    %swap3A_311 = vector.shape_cast %scan3A_268#6 : vector<16xf32> to vector<1x16xf32>
    tpu.vector_store %arg7[%swap3A_307, %swap3A_308], %swap3A_311 {strides = array<i32>} : memref<128x128xf32, #tpu.memory_space<vmem>>, vector<1x16xf32>,
    %swap3A_312 = arith.constant 124 : i32
    %swap3A_313 = arith.index_cast %swap3A_312 : i32 to index
    %swap3A_314 = arith.constant 112 : index
    %swap3A_315 = tpu.vector_load %arg7[%swap3A_313, %swap3A_314] {strides = array<i32>} : memref<128x128xf32, #tpu.memory_space<vmem>>, vector<1x16xf32>,
    %swap3A_316 = vector.shape_cast %swap3A_315 : vector<1x16xf32> to vector<16xf32>
    %swap3A_317 = vector.shape_cast %scan3A_268#7 : vector<16xf32> to vector<1x16xf32>
    tpu.vector_store %arg7[%swap3A_313, %swap3A_314], %swap3A_317 {strides = array<i32>} : memref<128x128xf32, #tpu.memory_space<vmem>>, vector<1x16xf32>,
    %dma_start3A_318 = arith.constant 127 : i32
    %dma_start3A_319 = arith.constant 1 : i32
    %dma_start3A_320 = arith.constant 0 : i32
    %dma_start3A_321 = arith.constant 0 : i32
    %dma_start3A_322 = tpu.memref_slice %arg6[%dma_start3A_319, %dma_start3A_320, %dma_start3A_321] : memref<3x200x128xf32, #tpu.memory_space<vmem>> -> memref<1x64x128xf32, #tpu.memory_space<vmem>>
    %dma_start3A_323 = tpu.memref_squeeze %dma_start3A_322 : memref<1x64x128xf32, #tpu.memory_space<vmem>> -> memref<64x128xf32, #tpu.memory_space<vmem>>
    %dma_start3A_324 = arith.constant 0 : i32
    %dma_start3A_325 = tpu.memref_slice %arg5[%dma_start3A_318, %dma_start3A_324] : memref<128x200xi32, #tpu.memory_space<vmem>> -> memref<1x64xi32, #tpu.memory_space<vmem>>
    %dma_start3A_326 = tpu.memref_squeeze %dma_start3A_325 : memref<1x64xi32, #tpu.memory_space<vmem>> -> memref<64xi32, #tpu.memory_space<vmem>>
    %dma_start3A_327 = arith.constant 0 : i32
    %dma_start3A_328 = arith.constant 0 : i32
    %dma_start3A_329 = tpu.memref_slice %arg3[%dma_start3A_327, %dma_start3A_328] : memref<1000000x128xf32, #tpu.memory_space<hbm>> -> memref<1000000x128xf32, #tpu.memory_space<hbm>>
    tpu.enqueue_indirect_dma source(%dma_start3A_329 : memref<1000000x128xf32, #tpu.memory_space<hbm>>) target(%dma_start3A_323 : memref<64x128xf32, #tpu.memory_space<vmem>>) offsets(%dma_start3A_326 : memref<64xi32, #tpu.memory_space<vmem>>) semaphore(%arg9 : memref<!tpu.dma_semaphore, #tpu.memory_space<semaphore_mem>>)
    %dma_start3A_330 = arith.constant 127 : i32
    %dma_start3A_331 = arith.constant 1 : i32
    %dma_start3A_332 = arith.constant 64 : i32
    %dma_start3A_333 = arith.constant 0 : i32
    %dma_start3A_334 = tpu.memref_slice %arg6[%dma_start3A_331, %dma_start3A_332, %dma_start3A_333] : memref<3x200x128xf32, #tpu.memory_space<vmem>> -> memref<1x64x128xf32, #tpu.memory_space<vmem>>
    %dma_start3A_335 = tpu.memref_squeeze %dma_start3A_334 : memref<1x64x128xf32, #tpu.memory_space<vmem>> -> memref<64x128xf32, #tpu.memory_space<vmem>>
    %dma_start3A_336 = arith.constant 64 : i32
    %dma_start3A_337 = tpu.memref_slice %arg5[%dma_start3A_330, %dma_start3A_336] : memref<128x200xi32, #tpu.memory_space<vmem>> -> memref<1x64xi32, #tpu.memory_space<vmem>>
    %dma_start3A_338 = tpu.memref_squeeze %dma_start3A_337 : memref<1x64xi32, #tpu.memory_space<vmem>> -> memref<64xi32, #tpu.memory_space<vmem>>
    %dma_start3A_339 = arith.constant 0 : i32
    %dma_start3A_340 = arith.constant 0 : i32
    %dma_start3A_341 = tpu.memref_slice %arg3[%dma_start3A_339, %dma_start3A_340] : memref<1000000x128xf32, #tpu.memory_space<hbm>> -> memref<1000000x128xf32, #tpu.memory_space<hbm>>
    tpu.enqueue_indirect_dma source(%dma_start3A_341 : memref<1000000x128xf32, #tpu.memory_space<hbm>>) target(%dma_start3A_335 : memref<64x128xf32, #tpu.memory_space<vmem>>) offsets(%dma_start3A_338 : memref<64xi32, #tpu.memory_space<vmem>>) semaphore(%arg9 : memref<!tpu.dma_semaphore, #tpu.memory_space<semaphore_mem>>)
    %dma_start3A_342 = arith.constant 127 : i32
    %dma_start3A_343 = arith.constant 1 : i32
    %dma_start3A_344 = arith.constant 128 : i32
    %dma_start3A_345 = arith.constant 0 : i32
    %dma_start3A_346 = tpu.memref_slice %arg6[%dma_start3A_343, %dma_start3A_344, %dma_start3A_345] : memref<3x200x128xf32, #tpu.memory_space<vmem>> -> memref<1x72x128xf32, #tpu.memory_space<vmem>>
    %dma_start3A_347 = tpu.memref_squeeze %dma_start3A_346 : memref<1x72x128xf32, #tpu.memory_space<vmem>> -> memref<72x128xf32, #tpu.memory_space<vmem>>
    %dma_start3A_348 = arith.constant 128 : i32
    %dma_start3A_349 = tpu.memref_slice %arg5[%dma_start3A_342, %dma_start3A_348] : memref<128x200xi32, #tpu.memory_space<vmem>> -> memref<1x72xi32, #tpu.memory_space<vmem>>
    %dma_start3A_350 = tpu.memref_squeeze %dma_start3A_349 : memref<1x72xi32, #tpu.memory_space<vmem>> -> memref<72xi32, #tpu.memory_space<vmem>>
    %dma_start3A_351 = arith.constant 0 : i32
    %dma_start3A_352 = arith.constant 0 : i32
    %dma_start3A_353 = tpu.memref_slice %arg3[%dma_start3A_351, %dma_start3A_352] : memref<1000000x128xf32, #tpu.memory_space<hbm>> -> memref<1000000x128xf32, #tpu.memory_space<hbm>>
    tpu.enqueue_indirect_dma source(%dma_start3A_353 : memref<1000000x128xf32, #tpu.memory_space<hbm>>) target(%dma_start3A_347 : memref<72x128xf32, #tpu.memory_space<vmem>>) offsets(%dma_start3A_350 : memref<72xi32, #tpu.memory_space<vmem>>) semaphore(%arg9 : memref<!tpu.dma_semaphore, #tpu.memory_space<semaphore_mem>>)
    %dma_wait3A_354 = arith.constant 2 : i32
    %dma_wait3A_355 = arith.constant 0 : i32
    %dma_wait3A_356 = arith.constant 0 : i32
    %dma_wait3A_357 = tpu.memref_slice %arg6[%dma_wait3A_354, %dma_wait3A_355, %dma_wait3A_356] : memref<3x200x128xf32, #tpu.memory_space<vmem>> -> memref<1x200x128xf32, #tpu.memory_space<vmem>>
    %dma_wait3A_358 = tpu.memref_squeeze %dma_wait3A_357 : memref<1x200x128xf32, #tpu.memory_space<vmem>> -> memref<200x128xf32, #tpu.memory_space<vmem>>
    %dma_wait3A_359 = arith.constant 0 : i32
    %dma_wait3A_360 = arith.constant 0 : i32
    %dma_wait3A_361 = tpu.memref_slice %arg3[%dma_wait3A_359, %dma_wait3A_360] : memref<1000000x128xf32, #tpu.memory_space<hbm>> -> memref<200x128xf32, #tpu.memory_space<hbm>>
    %dma_wait3A_362 = arith.constant 0 : i32
    %dma_wait3A_363 = arith.constant 0 : i32
    %dma_wait3A_364 = tpu.memref_slice %arg6[%dma_wait3A_354, %dma_wait3A_362, %dma_wait3A_363] : memref<3x200x128xf32, #tpu.memory_space<vmem>> -> memref<1x200x128xf32, #tpu.memory_space<vmem>>
    %dma_wait3A_365 = tpu.memref_squeeze %dma_wait3A_364 : memref<1x200x128xf32, #tpu.memory_space<vmem>> -> memref<200x128xf32, #tpu.memory_space<vmem>>
    %dma_wait3A_366 = arith.constant 0 : i32
    %dma_wait3A_367 = arith.constant 0 : i32
    %dma_wait3A_368 = tpu.memref_slice %arg3[%dma_wait3A_366, %dma_wait3A_367] : memref<1000000x128xf32, #tpu.memory_space<hbm>> -> memref<200x128xf32, #tpu.memory_space<hbm>>
    tpu.wait_dma2 semaphore(%arg10 : memref<!tpu.dma_semaphore, #tpu.memory_space<semaphore_mem>>) src(%dma_wait3A_368 : memref<200x128xf32, #tpu.memory_space<hbm>>) dst(%dma_wait3A_365 : memref<200x128xf32, #tpu.memory_space<vmem>>)
    %broadcast_in_dim3A_369 = arith.constant 0.000000e+00 : f32
    %broadcast_in_dim3A_370 = vector.broadcast %broadcast_in_dim3A_369 : f32 to vector<16xf32>
    %broadcast_in_dim3A_371 = arith.constant 0.000000e+00 : f32
    %broadcast_in_dim3A_372 = vector.broadcast %broadcast_in_dim3A_371 : f32 to vector<16xf32>
    %broadcast_in_dim3A_373 = arith.constant 0.000000e+00 : f32
    %broadcast_in_dim3A_374 = vector.broadcast %broadcast_in_dim3A_373 : f32 to vector<16xf32>
    %broadcast_in_dim3A_375 = arith.constant 0.000000e+00 : f32
    %broadcast_in_dim3A_376 = vector.broadcast %broadcast_in_dim3A_375 : f32 to vector<16xf32>
    %broadcast_in_dim3A_377 = arith.constant 0.000000e+00 : f32
    %broadcast_in_dim3A_378 = vector.broadcast %broadcast_in_dim3A_377 : f32 to vector<16xf32>
    %broadcast_in_dim3A_379 = arith.constant 0.000000e+00 : f32
    %broadcast_in_dim3A_380 = vector.broadcast %broadcast_in_dim3A_379 : f32 to vector<16xf32>
    %broadcast_in_dim3A_381 = arith.constant 0.000000e+00 : f32
    %broadcast_in_dim3A_382 = vector.broadcast %broadcast_in_dim3A_381 : f32 to vector<16xf32>
    %broadcast_in_dim3A_383 = arith.constant 0.000000e+00 : f32
    %broadcast_in_dim3A_384 = vector.broadcast %broadcast_in_dim3A_383 : f32 to vector<16xf32>
    %scan3A_385 = arith.constant 0 : i32
    %scan3A_386 = arith.constant 200 : i32
    %scan3A_387 = arith.addi %scan3A_385, %scan3A_386 : i32
    %scan3A_388 = arith.constant 1 : i32
    %scan3A_389:8 = scf.for %scan3A_609 = %scan3A_385 to %scan3A_387 step %scan3A_388 iter_args(%scan3A_610 = %broadcast_in_dim3A_370, %scan3A_611 = %broadcast_in_dim3A_372, %scan3A_612 = %broadcast_in_dim3A_374, %scan3A_613 = %broadcast_in_dim3A_376, %scan3A_614 = %broadcast_in_dim3A_378, %scan3A_615 = %broadcast_in_dim3A_380, %scan3A_616 = %broadcast_in_dim3A_382, %scan3A_617 = %broadcast_in_dim3A_384) -> (vector<16xf32>, vector<16xf32>, vector<16xf32>, vector<16xf32>, vector<16xf32>, vector<16xf32>, vector<16xf32>, vector<16xf32>)  : i32 {
      %get3A = arith.constant 2 : i32
      %get3A_618 = arith.index_cast %get3A : i32 to index
      %get3A_619 = arith.index_cast %scan3A_609 : i32 to index
      %get3A_620 = arith.constant 0 : index
      %get3A_621 = tpu.vector_load %arg6[%get3A_618, %get3A_619, %get3A_620] {strides = array<i32>} : memref<3x200x128xf32, #tpu.memory_space<vmem>>, vector<1x1x16xf32>,
      %get3A_622 = vector.shape_cast %get3A_621 : vector<1x1x16xf32> to vector<16xf32>
      %add3A_623 = arith.addf %scan3A_610, %get3A_622 : vector<16xf32>
      %get3A_624 = arith.constant 2 : i32
      %get3A_625 = arith.index_cast %get3A_624 : i32 to index
      %get3A_626 = arith.index_cast %scan3A_609 : i32 to index
      %get3A_627 = arith.constant 16 : index
      %get3A_628 = tpu.vector_load %arg6[%get3A_625, %get3A_626, %get3A_627] {strides = array<i32>} : memref<3x200x128xf32, #tpu.memory_space<vmem>>, vector<1x1x16xf32>,
      %get3A_629 = vector.shape_cast %get3A_628 : vector<1x1x16xf32> to vector<16xf32>
      %add3A_630 = arith.addf %scan3A_611, %get3A_629 : vector<16xf32>
      %get3A_631 = arith.constant 2 : i32
      %get3A_632 = arith.index_cast %get3A_631 : i32 to index
      %get3A_633 = arith.index_cast %scan3A_609 : i32 to index
      %get3A_634 = arith.constant 32 : index
      %get3A_635 = tpu.vector_load %arg6[%get3A_632, %get3A_633, %get3A_634] {strides = array<i32>} : memref<3x200x128xf32, #tpu.memory_space<vmem>>, vector<1x1x16xf32>,
      %get3A_636 = vector.shape_cast %get3A_635 : vector<1x1x16xf32> to vector<16xf32>
      %add3A_637 = arith.addf %scan3A_612, %get3A_636 : vector<16xf32>
      %get3A_638 = arith.constant 2 : i32
      %get3A_639 = arith.index_cast %get3A_638 : i32 to index
      %get3A_640 = arith.index_cast %scan3A_609 : i32 to index
      %get3A_641 = arith.constant 48 : index
      %get3A_642 = tpu.vector_load %arg6[%get3A_639, %get3A_640, %get3A_641] {strides = array<i32>} : memref<3x200x128xf32, #tpu.memory_space<vmem>>, vector<1x1x16xf32>,
      %get3A_643 = vector.shape_cast %get3A_642 : vector<1x1x16xf32> to vector<16xf32>
      %add3A_644 = arith.addf %scan3A_613, %get3A_643 : vector<16xf32>
      %get3A_645 = arith.constant 2 : i32
      %get3A_646 = arith.index_cast %get3A_645 : i32 to index
      %get3A_647 = arith.index_cast %scan3A_609 : i32 to index
      %get3A_648 = arith.constant 64 : index
      %get3A_649 = tpu.vector_load %arg6[%get3A_646, %get3A_647, %get3A_648] {strides = array<i32>} : memref<3x200x128xf32, #tpu.memory_space<vmem>>, vector<1x1x16xf32>,
      %get3A_650 = vector.shape_cast %get3A_649 : vector<1x1x16xf32> to vector<16xf32>
      %add3A_651 = arith.addf %scan3A_614, %get3A_650 : vector<16xf32>
      %get3A_652 = arith.constant 2 : i32
      %get3A_653 = arith.index_cast %get3A_652 : i32 to index
      %get3A_654 = arith.index_cast %scan3A_609 : i32 to index
      %get3A_655 = arith.constant 80 : index
      %get3A_656 = tpu.vector_load %arg6[%get3A_653, %get3A_654, %get3A_655] {strides = array<i32>} : memref<3x200x128xf32, #tpu.memory_space<vmem>>, vector<1x1x16xf32>,
      %get3A_657 = vector.shape_cast %get3A_656 : vector<1x1x16xf32> to vector<16xf32>
      %add3A_658 = arith.addf %scan3A_615, %get3A_657 : vector<16xf32>
      %get3A_659 = arith.constant 2 : i32
      %get3A_660 = arith.index_cast %get3A_659 : i32 to index
      %get3A_661 = arith.index_cast %scan3A_609 : i32 to index
      %get3A_662 = arith.constant 96 : index
      %get3A_663 = tpu.vector_load %arg6[%get3A_660, %get3A_661, %get3A_662] {strides = array<i32>} : memref<3x200x128xf32, #tpu.memory_space<vmem>>, vector<1x1x16xf32>,
      %get3A_664 = vector.shape_cast %get3A_663 : vector<1x1x16xf32> to vector<16xf32>
      %add3A_665 = arith.addf %scan3A_616, %get3A_664 : vector<16xf32>
      %get3A_666 = arith.constant 2 : i32
      %get3A_667 = arith.index_cast %get3A_666 : i32 to index
      %get3A_668 = arith.index_cast %scan3A_609 : i32 to index
      %get3A_669 = arith.constant 112 : index
      %get3A_670 = tpu.vector_load %arg6[%get3A_667, %get3A_668, %get3A_669] {strides = array<i32>} : memref<3x200x128xf32, #tpu.memory_space<vmem>>, vector<1x1x16xf32>,
      %get3A_671 = vector.shape_cast %get3A_670 : vector<1x1x16xf32> to vector<16xf32>
      %add3A_672 = arith.addf %scan3A_617, %get3A_671 : vector<16xf32>
      scf.yield %add3A_623, %add3A_630, %add3A_637, %add3A_644, %add3A_651, %add3A_658, %add3A_665, %add3A_672 : vector<16xf32>, vector<16xf32>, vector<16xf32>, vector<16xf32>, vector<16xf32>, vector<16xf32>, vector<16xf32>, vector<16xf32>
    }
    %scan3A_390 = arith.constant 200 : i32
    %swap3A_391 = arith.constant 125 : i32
    %swap3A_392 = arith.index_cast %swap3A_391 : i32 to index
    %swap3A_393 = arith.constant 0 : index
    %swap3A_394 = tpu.vector_load %arg7[%swap3A_392, %swap3A_393] {strides = array<i32>} : memref<128x128xf32, #tpu.memory_space<vmem>>, vector<1x16xf32>,
    %swap3A_395 = vector.shape_cast %swap3A_394 : vector<1x16xf32> to vector<16xf32>
    %swap3A_396 = vector.shape_cast %scan3A_389#0 : vector<16xf32> to vector<1x16xf32>
    tpu.vector_store %arg7[%swap3A_392, %swap3A_393], %swap3A_396 {strides = array<i32>} : memref<128x128xf32, #tpu.memory_space<vmem>>, vector<1x16xf32>,
    %swap3A_397 = arith.constant 125 : i32
    %swap3A_398 = arith.index_cast %swap3A_397 : i32 to index
    %swap3A_399 = arith.constant 16 : index
    %swap3A_400 = tpu.vector_load %arg7[%swap3A_398, %swap3A_399] {strides = array<i32>} : memref<128x128xf32, #tpu.memory_space<vmem>>, vector<1x16xf32>,
    %swap3A_401 = vector.shape_cast %swap3A_400 : vector<1x16xf32> to vector<16xf32>
    %swap3A_402 = vector.shape_cast %scan3A_389#1 : vector<16xf32> to vector<1x16xf32>
    tpu.vector_store %arg7[%swap3A_398, %swap3A_399], %swap3A_402 {strides = array<i32>} : memref<128x128xf32, #tpu.memory_space<vmem>>, vector<1x16xf32>,
    %swap3A_403 = arith.constant 125 : i32
    %swap3A_404 = arith.index_cast %swap3A_403 : i32 to index
    %swap3A_405 = arith.constant 32 : index
    %swap3A_406 = tpu.vector_load %arg7[%swap3A_404, %swap3A_405] {strides = array<i32>} : memref<128x128xf32, #tpu.memory_space<vmem>>, vector<1x16xf32>,
    %swap3A_407 = vector.shape_cast %swap3A_406 : vector<1x16xf32> to vector<16xf32>
    %swap3A_408 = vector.shape_cast %scan3A_389#2 : vector<16xf32> to vector<1x16xf32>
    tpu.vector_store %arg7[%swap3A_404, %swap3A_405], %swap3A_408 {strides = array<i32>} : memref<128x128xf32, #tpu.memory_space<vmem>>, vector<1x16xf32>,
    %swap3A_409 = arith.constant 125 : i32
    %swap3A_410 = arith.index_cast %swap3A_409 : i32 to index
    %swap3A_411 = arith.constant 48 : index
    %swap3A_412 = tpu.vector_load %arg7[%swap3A_410, %swap3A_411] {strides = array<i32>} : memref<128x128xf32, #tpu.memory_space<vmem>>, vector<1x16xf32>,
    %swap3A_413 = vector.shape_cast %swap3A_412 : vector<1x16xf32> to vector<16xf32>
    %swap3A_414 = vector.shape_cast %scan3A_389#3 : vector<16xf32> to vector<1x16xf32>
    tpu.vector_store %arg7[%swap3A_410, %swap3A_411], %swap3A_414 {strides = array<i32>} : memref<128x128xf32, #tpu.memory_space<vmem>>, vector<1x16xf32>,
    %swap3A_415 = arith.constant 125 : i32
    %swap3A_416 = arith.index_cast %swap3A_415 : i32 to index
    %swap3A_417 = arith.constant 64 : index
    %swap3A_418 = tpu.vector_load %arg7[%swap3A_416, %swap3A_417] {strides = array<i32>} : memref<128x128xf32, #tpu.memory_space<vmem>>, vector<1x16xf32>,
    %swap3A_419 = vector.shape_cast %swap3A_418 : vector<1x16xf32> to vector<16xf32>
    %swap3A_420 = vector.shape_cast %scan3A_389#4 : vector<16xf32> to vector<1x16xf32>
    tpu.vector_store %arg7[%swap3A_416, %swap3A_417], %swap3A_420 {strides = array<i32>} : memref<128x128xf32, #tpu.memory_space<vmem>>, vector<1x16xf32>,
    %swap3A_421 = arith.constant 125 : i32
    %swap3A_422 = arith.index_cast %swap3A_421 : i32 to index
    %swap3A_423 = arith.constant 80 : index
    %swap3A_424 = tpu.vector_load %arg7[%swap3A_422, %swap3A_423] {strides = array<i32>} : memref<128x128xf32, #tpu.memory_space<vmem>>, vector<1x16xf32>,
    %swap3A_425 = vector.shape_cast %swap3A_424 : vector<1x16xf32> to vector<16xf32>
    %swap3A_426 = vector.shape_cast %scan3A_389#5 : vector<16xf32> to vector<1x16xf32>
    tpu.vector_store %arg7[%swap3A_422, %swap3A_423], %swap3A_426 {strides = array<i32>} : memref<128x128xf32, #tpu.memory_space<vmem>>, vector<1x16xf32>,
    %swap3A_427 = arith.constant 125 : i32
    %swap3A_428 = arith.index_cast %swap3A_427 : i32 to index
    %swap3A_429 = arith.constant 96 : index
    %swap3A_430 = tpu.vector_load %arg7[%swap3A_428, %swap3A_429] {strides = array<i32>} : memref<128x128xf32, #tpu.memory_space<vmem>>, vector<1x16xf32>,
    %swap3A_431 = vector.shape_cast %swap3A_430 : vector<1x16xf32> to vector<16xf32>
    %swap3A_432 = vector.shape_cast %scan3A_389#6 : vector<16xf32> to vector<1x16xf32>
    tpu.vector_store %arg7[%swap3A_428, %swap3A_429], %swap3A_432 {strides = array<i32>} : memref<128x128xf32, #tpu.memory_space<vmem>>, vector<1x16xf32>,
    %swap3A_433 = arith.constant 125 : i32
    %swap3A_434 = arith.index_cast %swap3A_433 : i32 to index
    %swap3A_435 = arith.constant 112 : index
    %swap3A_436 = tpu.vector_load %arg7[%swap3A_434, %swap3A_435] {strides = array<i32>} : memref<128x128xf32, #tpu.memory_space<vmem>>, vector<1x16xf32>,
    %swap3A_437 = vector.shape_cast %swap3A_436 : vector<1x16xf32> to vector<16xf32>
    %swap3A_438 = vector.shape_cast %scan3A_389#7 : vector<16xf32> to vector<1x16xf32>
    tpu.vector_store %arg7[%swap3A_434, %swap3A_435], %swap3A_438 {strides = array<i32>} : memref<128x128xf32, #tpu.memory_space<vmem>>, vector<1x16xf32>,
    %dma_wait3A_439 = arith.constant 0 : i32
    %dma_wait3A_440 = arith.constant 0 : i32
    %dma_wait3A_441 = arith.constant 0 : i32
    %dma_wait3A_442 = tpu.memref_slice %arg6[%dma_wait3A_439, %dma_wait3A_440, %dma_wait3A_441] : memref<3x200x128xf32, #tpu.memory_space<vmem>> -> memref<1x200x128xf32, #tpu.memory_space<vmem>>
    %dma_wait3A_443 = tpu.memref_squeeze %dma_wait3A_442 : memref<1x200x128xf32, #tpu.memory_space<vmem>> -> memref<200x128xf32, #tpu.memory_space<vmem>>
    %dma_wait3A_444 = arith.constant 0 : i32
    %dma_wait3A_445 = arith.constant 0 : i32
    %dma_wait3A_446 = tpu.memref_slice %arg3[%dma_wait3A_444, %dma_wait3A_445] : memref<1000000x128xf32, #tpu.memory_space<hbm>> -> memref<200x128xf32, #tpu.memory_space<hbm>>
    %dma_wait3A_447 = arith.constant 0 : i32
    %dma_wait3A_448 = arith.constant 0 : i32
    %dma_wait3A_449 = tpu.memref_slice %arg6[%dma_wait3A_439, %dma_wait3A_447, %dma_wait3A_448] : memref<3x200x128xf32, #tpu.memory_space<vmem>> -> memref<1x200x128xf32, #tpu.memory_space<vmem>>
    %dma_wait3A_450 = tpu.memref_squeeze %dma_wait3A_449 : memref<1x200x128xf32, #tpu.memory_space<vmem>> -> memref<200x128xf32, #tpu.memory_space<vmem>>
    %dma_wait3A_451 = arith.constant 0 : i32
    %dma_wait3A_452 = arith.constant 0 : i32
    %dma_wait3A_453 = tpu.memref_slice %arg3[%dma_wait3A_451, %dma_wait3A_452] : memref<1000000x128xf32, #tpu.memory_space<hbm>> -> memref<200x128xf32, #tpu.memory_space<hbm>>
    tpu.wait_dma2 semaphore(%arg8 : memref<!tpu.dma_semaphore, #tpu.memory_space<semaphore_mem>>) src(%dma_wait3A_453 : memref<200x128xf32, #tpu.memory_space<hbm>>) dst(%dma_wait3A_450 : memref<200x128xf32, #tpu.memory_space<vmem>>)
    %broadcast_in_dim3A_454 = arith.constant 0.000000e+00 : f32
    %broadcast_in_dim3A_455 = vector.broadcast %broadcast_in_dim3A_454 : f32 to vector<16xf32>
    %broadcast_in_dim3A_456 = arith.constant 0.000000e+00 : f32
    %broadcast_in_dim3A_457 = vector.broadcast %broadcast_in_dim3A_456 : f32 to vector<16xf32>
    %broadcast_in_dim3A_458 = arith.constant 0.000000e+00 : f32
    %broadcast_in_dim3A_459 = vector.broadcast %broadcast_in_dim3A_458 : f32 to vector<16xf32>
    %broadcast_in_dim3A_460 = arith.constant 0.000000e+00 : f32
    %broadcast_in_dim3A_461 = vector.broadcast %broadcast_in_dim3A_460 : f32 to vector<16xf32>
    %broadcast_in_dim3A_462 = arith.constant 0.000000e+00 : f32
    %broadcast_in_dim3A_463 = vector.broadcast %broadcast_in_dim3A_462 : f32 to vector<16xf32>
    %broadcast_in_dim3A_464 = arith.constant 0.000000e+00 : f32
    %broadcast_in_dim3A_465 = vector.broadcast %broadcast_in_dim3A_464 : f32 to vector<16xf32>
    %broadcast_in_dim3A_466 = arith.constant 0.000000e+00 : f32
    %broadcast_in_dim3A_467 = vector.broadcast %broadcast_in_dim3A_466 : f32 to vector<16xf32>
    %broadcast_in_dim3A_468 = arith.constant 0.000000e+00 : f32
    %broadcast_in_dim3A_469 = vector.broadcast %broadcast_in_dim3A_468 : f32 to vector<16xf32>
    %scan3A_470 = arith.constant 0 : i32
    %scan3A_471 = arith.constant 200 : i32
    %scan3A_472 = arith.addi %scan3A_470, %scan3A_471 : i32
    %scan3A_473 = arith.constant 1 : i32
    %scan3A_474:8 = scf.for %scan3A_609 = %scan3A_470 to %scan3A_472 step %scan3A_473 iter_args(%scan3A_610 = %broadcast_in_dim3A_455, %scan3A_611 = %broadcast_in_dim3A_457, %scan3A_612 = %broadcast_in_dim3A_459, %scan3A_613 = %broadcast_in_dim3A_461, %scan3A_614 = %broadcast_in_dim3A_463, %scan3A_615 = %broadcast_in_dim3A_465, %scan3A_616 = %broadcast_in_dim3A_467, %scan3A_617 = %broadcast_in_dim3A_469) -> (vector<16xf32>, vector<16xf32>, vector<16xf32>, vector<16xf32>, vector<16xf32>, vector<16xf32>, vector<16xf32>, vector<16xf32>)  : i32 {
      %get3A = arith.constant 0 : i32
      %get3A_618 = arith.index_cast %get3A : i32 to index
      %get3A_619 = arith.index_cast %scan3A_609 : i32 to index
      %get3A_620 = arith.constant 0 : index
      %get3A_621 = tpu.vector_load %arg6[%get3A_618, %get3A_619, %get3A_620] {strides = array<i32>} : memref<3x200x128xf32, #tpu.memory_space<vmem>>, vector<1x1x16xf32>,
      %get3A_622 = vector.shape_cast %get3A_621 : vector<1x1x16xf32> to vector<16xf32>
      %add3A_623 = arith.addf %scan3A_610, %get3A_622 : vector<16xf32>
      %get3A_624 = arith.constant 0 : i32
      %get3A_625 = arith.index_cast %get3A_624 : i32 to index
      %get3A_626 = arith.index_cast %scan3A_609 : i32 to index
      %get3A_627 = arith.constant 16 : index
      %get3A_628 = tpu.vector_load %arg6[%get3A_625, %get3A_626, %get3A_627] {strides = array<i32>} : memref<3x200x128xf32, #tpu.memory_space<vmem>>, vector<1x1x16xf32>,
      %get3A_629 = vector.shape_cast %get3A_628 : vector<1x1x16xf32> to vector<16xf32>
      %add3A_630 = arith.addf %scan3A_611, %get3A_629 : vector<16xf32>
      %get3A_631 = arith.constant 0 : i32
      %get3A_632 = arith.index_cast %get3A_631 : i32 to index
      %get3A_633 = arith.index_cast %scan3A_609 : i32 to index
      %get3A_634 = arith.constant 32 : index
      %get3A_635 = tpu.vector_load %arg6[%get3A_632, %get3A_633, %get3A_634] {strides = array<i32>} : memref<3x200x128xf32, #tpu.memory_space<vmem>>, vector<1x1x16xf32>,
      %get3A_636 = vector.shape_cast %get3A_635 : vector<1x1x16xf32> to vector<16xf32>
      %add3A_637 = arith.addf %scan3A_612, %get3A_636 : vector<16xf32>
      %get3A_638 = arith.constant 0 : i32
      %get3A_639 = arith.index_cast %get3A_638 : i32 to index
      %get3A_640 = arith.index_cast %scan3A_609 : i32 to index
      %get3A_641 = arith.constant 48 : index
      %get3A_642 = tpu.vector_load %arg6[%get3A_639, %get3A_640, %get3A_641] {strides = array<i32>} : memref<3x200x128xf32, #tpu.memory_space<vmem>>, vector<1x1x16xf32>,
      %get3A_643 = vector.shape_cast %get3A_642 : vector<1x1x16xf32> to vector<16xf32>
      %add3A_644 = arith.addf %scan3A_613, %get3A_643 : vector<16xf32>
      %get3A_645 = arith.constant 0 : i32
      %get3A_646 = arith.index_cast %get3A_645 : i32 to index
      %get3A_647 = arith.index_cast %scan3A_609 : i32 to index
      %get3A_648 = arith.constant 64 : index
      %get3A_649 = tpu.vector_load %arg6[%get3A_646, %get3A_647, %get3A_648] {strides = array<i32>} : memref<3x200x128xf32, #tpu.memory_space<vmem>>, vector<1x1x16xf32>,
      %get3A_650 = vector.shape_cast %get3A_649 : vector<1x1x16xf32> to vector<16xf32>
      %add3A_651 = arith.addf %scan3A_614, %get3A_650 : vector<16xf32>
      %get3A_652 = arith.constant 0 : i32
      %get3A_653 = arith.index_cast %get3A_652 : i32 to index
      %get3A_654 = arith.index_cast %scan3A_609 : i32 to index
      %get3A_655 = arith.constant 80 : index
      %get3A_656 = tpu.vector_load %arg6[%get3A_653, %get3A_654, %get3A_655] {strides = array<i32>} : memref<3x200x128xf32, #tpu.memory_space<vmem>>, vector<1x1x16xf32>,
      %get3A_657 = vector.shape_cast %get3A_656 : vector<1x1x16xf32> to vector<16xf32>
      %add3A_658 = arith.addf %scan3A_615, %get3A_657 : vector<16xf32>
      %get3A_659 = arith.constant 0 : i32
      %get3A_660 = arith.index_cast %get3A_659 : i32 to index
      %get3A_661 = arith.index_cast %scan3A_609 : i32 to index
      %get3A_662 = arith.constant 96 : index
      %get3A_663 = tpu.vector_load %arg6[%get3A_660, %get3A_661, %get3A_662] {strides = array<i32>} : memref<3x200x128xf32, #tpu.memory_space<vmem>>, vector<1x1x16xf32>,
      %get3A_664 = vector.shape_cast %get3A_663 : vector<1x1x16xf32> to vector<16xf32>
      %add3A_665 = arith.addf %scan3A_616, %get3A_664 : vector<16xf32>
      %get3A_666 = arith.constant 0 : i32
      %get3A_667 = arith.index_cast %get3A_666 : i32 to index
      %get3A_668 = arith.index_cast %scan3A_609 : i32 to index
      %get3A_669 = arith.constant 112 : index
      %get3A_670 = tpu.vector_load %arg6[%get3A_667, %get3A_668, %get3A_669] {strides = array<i32>} : memref<3x200x128xf32, #tpu.memory_space<vmem>>, vector<1x1x16xf32>,
      %get3A_671 = vector.shape_cast %get3A_670 : vector<1x1x16xf32> to vector<16xf32>
      %add3A_672 = arith.addf %scan3A_617, %get3A_671 : vector<16xf32>
      scf.yield %add3A_623, %add3A_630, %add3A_637, %add3A_644, %add3A_651, %add3A_658, %add3A_665, %add3A_672 : vector<16xf32>, vector<16xf32>, vector<16xf32>, vector<16xf32>, vector<16xf32>, vector<16xf32>, vector<16xf32>, vector<16xf32>
    }
    %scan3A_475 = arith.constant 200 : i32
    %swap3A_476 = arith.constant 126 : i32
    %swap3A_477 = arith.index_cast %swap3A_476 : i32 to index
    %swap3A_478 = arith.constant 0 : index
    %swap3A_479 = tpu.vector_load %arg7[%swap3A_477, %swap3A_478] {strides = array<i32>} : memref<128x128xf32, #tpu.memory_space<vmem>>, vector<1x16xf32>,
    %swap3A_480 = vector.shape_cast %swap3A_479 : vector<1x16xf32> to vector<16xf32>
    %swap3A_481 = vector.shape_cast %scan3A_474#0 : vector<16xf32> to vector<1x16xf32>
    tpu.vector_store %arg7[%swap3A_477, %swap3A_478], %swap3A_481 {strides = array<i32>} : memref<128x128xf32, #tpu.memory_space<vmem>>, vector<1x16xf32>,
    %swap3A_482 = arith.constant 126 : i32
    %swap3A_483 = arith.index_cast %swap3A_482 : i32 to index
    %swap3A_484 = arith.constant 16 : index
    %swap3A_485 = tpu.vector_load %arg7[%swap3A_483, %swap3A_484] {strides = array<i32>} : memref<128x128xf32, #tpu.memory_space<vmem>>, vector<1x16xf32>,
    %swap3A_486 = vector.shape_cast %swap3A_485 : vector<1x16xf32> to vector<16xf32>
    %swap3A_487 = vector.shape_cast %scan3A_474#1 : vector<16xf32> to vector<1x16xf32>
    tpu.vector_store %arg7[%swap3A_483, %swap3A_484], %swap3A_487 {strides = array<i32>} : memref<128x128xf32, #tpu.memory_space<vmem>>, vector<1x16xf32>,
    %swap3A_488 = arith.constant 126 : i32
    %swap3A_489 = arith.index_cast %swap3A_488 : i32 to index
    %swap3A_490 = arith.constant 32 : index
    %swap3A_491 = tpu.vector_load %arg7[%swap3A_489, %swap3A_490] {strides = array<i32>} : memref<128x128xf32, #tpu.memory_space<vmem>>, vector<1x16xf32>,
    %swap3A_492 = vector.shape_cast %swap3A_491 : vector<1x16xf32> to vector<16xf32>
    %swap3A_493 = vector.shape_cast %scan3A_474#2 : vector<16xf32> to vector<1x16xf32>
    tpu.vector_store %arg7[%swap3A_489, %swap3A_490], %swap3A_493 {strides = array<i32>} : memref<128x128xf32, #tpu.memory_space<vmem>>, vector<1x16xf32>,
    %swap3A_494 = arith.constant 126 : i32
    %swap3A_495 = arith.index_cast %swap3A_494 : i32 to index
    %swap3A_496 = arith.constant 48 : index
    %swap3A_497 = tpu.vector_load %arg7[%swap3A_495, %swap3A_496] {strides = array<i32>} : memref<128x128xf32, #tpu.memory_space<vmem>>, vector<1x16xf32>,
    %swap3A_498 = vector.shape_cast %swap3A_497 : vector<1x16xf32> to vector<16xf32>
    %swap3A_499 = vector.shape_cast %scan3A_474#3 : vector<16xf32> to vector<1x16xf32>
    tpu.vector_store %arg7[%swap3A_495, %swap3A_496], %swap3A_499 {strides = array<i32>} : memref<128x128xf32, #tpu.memory_space<vmem>>, vector<1x16xf32>,
    %swap3A_500 = arith.constant 126 : i32
    %swap3A_501 = arith.index_cast %swap3A_500 : i32 to index
    %swap3A_502 = arith.constant 64 : index
    %swap3A_503 = tpu.vector_load %arg7[%swap3A_501, %swap3A_502] {strides = array<i32>} : memref<128x128xf32, #tpu.memory_space<vmem>>, vector<1x16xf32>,
    %swap3A_504 = vector.shape_cast %swap3A_503 : vector<1x16xf32> to vector<16xf32>
    %swap3A_505 = vector.shape_cast %scan3A_474#4 : vector<16xf32> to vector<1x16xf32>
    tpu.vector_store %arg7[%swap3A_501, %swap3A_502], %swap3A_505 {strides = array<i32>} : memref<128x128xf32, #tpu.memory_space<vmem>>, vector<1x16xf32>,
    %swap3A_506 = arith.constant 126 : i32
    %swap3A_507 = arith.index_cast %swap3A_506 : i32 to index
    %swap3A_508 = arith.constant 80 : index
    %swap3A_509 = tpu.vector_load %arg7[%swap3A_507, %swap3A_508] {strides = array<i32>} : memref<128x128xf32, #tpu.memory_space<vmem>>, vector<1x16xf32>,
    %swap3A_510 = vector.shape_cast %swap3A_509 : vector<1x16xf32> to vector<16xf32>
    %swap3A_511 = vector.shape_cast %scan3A_474#5 : vector<16xf32> to vector<1x16xf32>
    tpu.vector_store %arg7[%swap3A_507, %swap3A_508], %swap3A_511 {strides = array<i32>} : memref<128x128xf32, #tpu.memory_space<vmem>>, vector<1x16xf32>,
    %swap3A_512 = arith.constant 126 : i32
    %swap3A_513 = arith.index_cast %swap3A_512 : i32 to index
    %swap3A_514 = arith.constant 96 : index
    %swap3A_515 = tpu.vector_load %arg7[%swap3A_513, %swap3A_514] {strides = array<i32>} : memref<128x128xf32, #tpu.memory_space<vmem>>, vector<1x16xf32>,
    %swap3A_516 = vector.shape_cast %swap3A_515 : vector<1x16xf32> to vector<16xf32>
    %swap3A_517 = vector.shape_cast %scan3A_474#6 : vector<16xf32> to vector<1x16xf32>
    tpu.vector_store %arg7[%swap3A_513, %swap3A_514], %swap3A_517 {strides = array<i32>} : memref<128x128xf32, #tpu.memory_space<vmem>>, vector<1x16xf32>,
    %swap3A_518 = arith.constant 126 : i32
    %swap3A_519 = arith.index_cast %swap3A_518 : i32 to index
    %swap3A_520 = arith.constant 112 : index
    %swap3A_521 = tpu.vector_load %arg7[%swap3A_519, %swap3A_520] {strides = array<i32>} : memref<128x128xf32, #tpu.memory_space<vmem>>, vector<1x16xf32>,
    %swap3A_522 = vector.shape_cast %swap3A_521 : vector<1x16xf32> to vector<16xf32>
    %swap3A_523 = vector.shape_cast %scan3A_474#7 : vector<16xf32> to vector<1x16xf32>
    tpu.vector_store %arg7[%swap3A_519, %swap3A_520], %swap3A_523 {strides = array<i32>} : memref<128x128xf32, #tpu.memory_space<vmem>>, vector<1x16xf32>,
    %dma_wait3A_524 = arith.constant 1 : i32
    %dma_wait3A_525 = arith.constant 0 : i32
    %dma_wait3A_526 = arith.constant 0 : i32
    %dma_wait3A_527 = tpu.memref_slice %arg6[%dma_wait3A_524, %dma_wait3A_525, %dma_wait3A_526] : memref<3x200x128xf32, #tpu.memory_space<vmem>> -> memref<1x200x128xf32, #tpu.memory_space<vmem>>
    %dma_wait3A_528 = tpu.memref_squeeze %dma_wait3A_527 : memref<1x200x128xf32, #tpu.memory_space<vmem>> -> memref<200x128xf32, #tpu.memory_space<vmem>>
    %dma_wait3A_529 = arith.constant 0 : i32
    %dma_wait3A_530 = arith.constant 0 : i32
    %dma_wait3A_531 = tpu.memref_slice %arg3[%dma_wait3A_529, %dma_wait3A_530] : memref<1000000x128xf32, #tpu.memory_space<hbm>> -> memref<200x128xf32, #tpu.memory_space<hbm>>
    %dma_wait3A_532 = arith.constant 0 : i32
    %dma_wait3A_533 = arith.constant 0 : i32
    %dma_wait3A_534 = tpu.memref_slice %arg6[%dma_wait3A_524, %dma_wait3A_532, %dma_wait3A_533] : memref<3x200x128xf32, #tpu.memory_space<vmem>> -> memref<1x200x128xf32, #tpu.memory_space<vmem>>
    %dma_wait3A_535 = tpu.memref_squeeze %dma_wait3A_534 : memref<1x200x128xf32, #tpu.memory_space<vmem>> -> memref<200x128xf32, #tpu.memory_space<vmem>>
    %dma_wait3A_536 = arith.constant 0 : i32
    %dma_wait3A_537 = arith.constant 0 : i32
    %dma_wait3A_538 = tpu.memref_slice %arg3[%dma_wait3A_536, %dma_wait3A_537] : memref<1000000x128xf32, #tpu.memory_space<hbm>> -> memref<200x128xf32, #tpu.memory_space<hbm>>
    tpu.wait_dma2 semaphore(%arg9 : memref<!tpu.dma_semaphore, #tpu.memory_space<semaphore_mem>>) src(%dma_wait3A_538 : memref<200x128xf32, #tpu.memory_space<hbm>>) dst(%dma_wait3A_535 : memref<200x128xf32, #tpu.memory_space<vmem>>)
    %broadcast_in_dim3A_539 = arith.constant 0.000000e+00 : f32
    %broadcast_in_dim3A_540 = vector.broadcast %broadcast_in_dim3A_539 : f32 to vector<16xf32>
    %broadcast_in_dim3A_541 = arith.constant 0.000000e+00 : f32
    %broadcast_in_dim3A_542 = vector.broadcast %broadcast_in_dim3A_541 : f32 to vector<16xf32>
    %broadcast_in_dim3A_543 = arith.constant 0.000000e+00 : f32
    %broadcast_in_dim3A_544 = vector.broadcast %broadcast_in_dim3A_543 : f32 to vector<16xf32>
    %broadcast_in_dim3A_545 = arith.constant 0.000000e+00 : f32
    %broadcast_in_dim3A_546 = vector.broadcast %broadcast_in_dim3A_545 : f32 to vector<16xf32>
    %broadcast_in_dim3A_547 = arith.constant 0.000000e+00 : f32
    %broadcast_in_dim3A_548 = vector.broadcast %broadcast_in_dim3A_547 : f32 to vector<16xf32>
    %broadcast_in_dim3A_549 = arith.constant 0.000000e+00 : f32
    %broadcast_in_dim3A_550 = vector.broadcast %broadcast_in_dim3A_549 : f32 to vector<16xf32>
    %broadcast_in_dim3A_551 = arith.constant 0.000000e+00 : f32
    %broadcast_in_dim3A_552 = vector.broadcast %broadcast_in_dim3A_551 : f32 to vector<16xf32>
    %broadcast_in_dim3A_553 = arith.constant 0.000000e+00 : f32
    %broadcast_in_dim3A_554 = vector.broadcast %broadcast_in_dim3A_553 : f32 to vector<16xf32>
    %scan3A_555 = arith.constant 0 : i32
    %scan3A_556 = arith.constant 200 : i32
    %scan3A_557 = arith.addi %scan3A_555, %scan3A_556 : i32
    %scan3A_558 = arith.constant 1 : i32
    %scan3A_559:8 = scf.for %scan3A_609 = %scan3A_555 to %scan3A_557 step %scan3A_558 iter_args(%scan3A_610 = %broadcast_in_dim3A_540, %scan3A_611 = %broadcast_in_dim3A_542, %scan3A_612 = %broadcast_in_dim3A_544, %scan3A_613 = %broadcast_in_dim3A_546, %scan3A_614 = %broadcast_in_dim3A_548, %scan3A_615 = %broadcast_in_dim3A_550, %scan3A_616 = %broadcast_in_dim3A_552, %scan3A_617 = %broadcast_in_dim3A_554) -> (vector<16xf32>, vector<16xf32>, vector<16xf32>, vector<16xf32>, vector<16xf32>, vector<16xf32>, vector<16xf32>, vector<16xf32>)  : i32 {
      %get3A = arith.constant 1 : i32
      %get3A_618 = arith.index_cast %get3A : i32 to index
      %get3A_619 = arith.index_cast %scan3A_609 : i32 to index
      %get3A_620 = arith.constant 0 : index
      %get3A_621 = tpu.vector_load %arg6[%get3A_618, %get3A_619, %get3A_620] {strides = array<i32>} : memref<3x200x128xf32, #tpu.memory_space<vmem>>, vector<1x1x16xf32>,
      %get3A_622 = vector.shape_cast %get3A_621 : vector<1x1x16xf32> to vector<16xf32>
      %add3A_623 = arith.addf %scan3A_610, %get3A_622 : vector<16xf32>
      %get3A_624 = arith.constant 1 : i32
      %get3A_625 = arith.index_cast %get3A_624 : i32 to index
      %get3A_626 = arith.index_cast %scan3A_609 : i32 to index
      %get3A_627 = arith.constant 16 : index
      %get3A_628 = tpu.vector_load %arg6[%get3A_625, %get3A_626, %get3A_627] {strides = array<i32>} : memref<3x200x128xf32, #tpu.memory_space<vmem>>, vector<1x1x16xf32>,
      %get3A_629 = vector.shape_cast %get3A_628 : vector<1x1x16xf32> to vector<16xf32>
      %add3A_630 = arith.addf %scan3A_611, %get3A_629 : vector<16xf32>
      %get3A_631 = arith.constant 1 : i32
      %get3A_632 = arith.index_cast %get3A_631 : i32 to index
      %get3A_633 = arith.index_cast %scan3A_609 : i32 to index
      %get3A_634 = arith.constant 32 : index
      %get3A_635 = tpu.vector_load %arg6[%get3A_632, %get3A_633, %get3A_634] {strides = array<i32>} : memref<3x200x128xf32, #tpu.memory_space<vmem>>, vector<1x1x16xf32>,
      %get3A_636 = vector.shape_cast %get3A_635 : vector<1x1x16xf32> to vector<16xf32>
      %add3A_637 = arith.addf %scan3A_612, %get3A_636 : vector<16xf32>
      %get3A_638 = arith.constant 1 : i32
      %get3A_639 = arith.index_cast %get3A_638 : i32 to index
      %get3A_640 = arith.index_cast %scan3A_609 : i32 to index
      %get3A_641 = arith.constant 48 : index
      %get3A_642 = tpu.vector_load %arg6[%get3A_639, %get3A_640, %get3A_641] {strides = array<i32>} : memref<3x200x128xf32, #tpu.memory_space<vmem>>, vector<1x1x16xf32>,
      %get3A_643 = vector.shape_cast %get3A_642 : vector<1x1x16xf32> to vector<16xf32>
      %add3A_644 = arith.addf %scan3A_613, %get3A_643 : vector<16xf32>
      %get3A_645 = arith.constant 1 : i32
      %get3A_646 = arith.index_cast %get3A_645 : i32 to index
      %get3A_647 = arith.index_cast %scan3A_609 : i32 to index
      %get3A_648 = arith.constant 64 : index
      %get3A_649 = tpu.vector_load %arg6[%get3A_646, %get3A_647, %get3A_648] {strides = array<i32>} : memref<3x200x128xf32, #tpu.memory_space<vmem>>, vector<1x1x16xf32>,
      %get3A_650 = vector.shape_cast %get3A_649 : vector<1x1x16xf32> to vector<16xf32>
      %add3A_651 = arith.addf %scan3A_614, %get3A_650 : vector<16xf32>
      %get3A_652 = arith.constant 1 : i32
      %get3A_653 = arith.index_cast %get3A_652 : i32 to index
      %get3A_654 = arith.index_cast %scan3A_609 : i32 to index
      %get3A_655 = arith.constant 80 : index
      %get3A_656 = tpu.vector_load %arg6[%get3A_653, %get3A_654, %get3A_655] {strides = array<i32>} : memref<3x200x128xf32, #tpu.memory_space<vmem>>, vector<1x1x16xf32>,
      %get3A_657 = vector.shape_cast %get3A_656 : vector<1x1x16xf32> to vector<16xf32>
      %add3A_658 = arith.addf %scan3A_615, %get3A_657 : vector<16xf32>
      %get3A_659 = arith.constant 1 : i32
      %get3A_660 = arith.index_cast %get3A_659 : i32 to index
      %get3A_661 = arith.index_cast %scan3A_609 : i32 to index
      %get3A_662 = arith.constant 96 : index
      %get3A_663 = tpu.vector_load %arg6[%get3A_660, %get3A_661, %get3A_662] {strides = array<i32>} : memref<3x200x128xf32, #tpu.memory_space<vmem>>, vector<1x1x16xf32>,
      %get3A_664 = vector.shape_cast %get3A_663 : vector<1x1x16xf32> to vector<16xf32>
      %add3A_665 = arith.addf %scan3A_616, %get3A_664 : vector<16xf32>
      %get3A_666 = arith.constant 1 : i32
      %get3A_667 = arith.index_cast %get3A_666 : i32 to index
      %get3A_668 = arith.index_cast %scan3A_609 : i32 to index
      %get3A_669 = arith.constant 112 : index
      %get3A_670 = tpu.vector_load %arg6[%get3A_667, %get3A_668, %get3A_669] {strides = array<i32>} : memref<3x200x128xf32, #tpu.memory_space<vmem>>, vector<1x1x16xf32>,
      %get3A_671 = vector.shape_cast %get3A_670 : vector<1x1x16xf32> to vector<16xf32>
      %add3A_672 = arith.addf %scan3A_617, %get3A_671 : vector<16xf32>
      scf.yield %add3A_623, %add3A_630, %add3A_637, %add3A_644, %add3A_651, %add3A_658, %add3A_665, %add3A_672 : vector<16xf32>, vector<16xf32>, vector<16xf32>, vector<16xf32>, vector<16xf32>, vector<16xf32>, vector<16xf32>, vector<16xf32>
    }
    %scan3A_560 = arith.constant 200 : i32
    %swap3A_561 = arith.constant 127 : i32
    %swap3A_562 = arith.index_cast %swap3A_561 : i32 to index
    %swap3A_563 = arith.constant 0 : index
    %swap3A_564 = tpu.vector_load %arg7[%swap3A_562, %swap3A_563] {strides = array<i32>} : memref<128x128xf32, #tpu.memory_space<vmem>>, vector<1x16xf32>,
    %swap3A_565 = vector.shape_cast %swap3A_564 : vector<1x16xf32> to vector<16xf32>
    %swap3A_566 = vector.shape_cast %scan3A_559#0 : vector<16xf32> to vector<1x16xf32>
    tpu.vector_store %arg7[%swap3A_562, %swap3A_563], %swap3A_566 {strides = array<i32>} : memref<128x128xf32, #tpu.memory_space<vmem>>, vector<1x16xf32>,
    %swap3A_567 = arith.constant 127 : i32
    %swap3A_568 = arith.index_cast %swap3A_567 : i32 to index
    %swap3A_569 = arith.constant 16 : index
    %swap3A_570 = tpu.vector_load %arg7[%swap3A_568, %swap3A_569] {strides = array<i32>} : memref<128x128xf32, #tpu.memory_space<vmem>>, vector<1x16xf32>,
    %swap3A_571 = vector.shape_cast %swap3A_570 : vector<1x16xf32> to vector<16xf32>
    %swap3A_572 = vector.shape_cast %scan3A_559#1 : vector<16xf32> to vector<1x16xf32>
    tpu.vector_store %arg7[%swap3A_568, %swap3A_569], %swap3A_572 {strides = array<i32>} : memref<128x128xf32, #tpu.memory_space<vmem>>, vector<1x16xf32>,
    %swap3A_573 = arith.constant 127 : i32
    %swap3A_574 = arith.index_cast %swap3A_573 : i32 to index
    %swap3A_575 = arith.constant 32 : index
    %swap3A_576 = tpu.vector_load %arg7[%swap3A_574, %swap3A_575] {strides = array<i32>} : memref<128x128xf32, #tpu.memory_space<vmem>>, vector<1x16xf32>,
    %swap3A_577 = vector.shape_cast %swap3A_576 : vector<1x16xf32> to vector<16xf32>
    %swap3A_578 = vector.shape_cast %scan3A_559#2 : vector<16xf32> to vector<1x16xf32>
    tpu.vector_store %arg7[%swap3A_574, %swap3A_575], %swap3A_578 {strides = array<i32>} : memref<128x128xf32, #tpu.memory_space<vmem>>, vector<1x16xf32>,
    %swap3A_579 = arith.constant 127 : i32
    %swap3A_580 = arith.index_cast %swap3A_579 : i32 to index
    %swap3A_581 = arith.constant 48 : index
    %swap3A_582 = tpu.vector_load %arg7[%swap3A_580, %swap3A_581] {strides = array<i32>} : memref<128x128xf32, #tpu.memory_space<vmem>>, vector<1x16xf32>,
    %swap3A_583 = vector.shape_cast %swap3A_582 : vector<1x16xf32> to vector<16xf32>
    %swap3A_584 = vector.shape_cast %scan3A_559#3 : vector<16xf32> to vector<1x16xf32>
    tpu.vector_store %arg7[%swap3A_580, %swap3A_581], %swap3A_584 {strides = array<i32>} : memref<128x128xf32, #tpu.memory_space<vmem>>, vector<1x16xf32>,
    %swap3A_585 = arith.constant 127 : i32
    %swap3A_586 = arith.index_cast %swap3A_585 : i32 to index
    %swap3A_587 = arith.constant 64 : index
    %swap3A_588 = tpu.vector_load %arg7[%swap3A_586, %swap3A_587] {strides = array<i32>} : memref<128x128xf32, #tpu.memory_space<vmem>>, vector<1x16xf32>,
    %swap3A_589 = vector.shape_cast %swap3A_588 : vector<1x16xf32> to vector<16xf32>
    %swap3A_590 = vector.shape_cast %scan3A_559#4 : vector<16xf32> to vector<1x16xf32>
    tpu.vector_store %arg7[%swap3A_586, %swap3A_587], %swap3A_590 {strides = array<i32>} : memref<128x128xf32, #tpu.memory_space<vmem>>, vector<1x16xf32>,
    %swap3A_591 = arith.constant 127 : i32
    %swap3A_592 = arith.index_cast %swap3A_591 : i32 to index
    %swap3A_593 = arith.constant 80 : index
    %swap3A_594 = tpu.vector_load %arg7[%swap3A_592, %swap3A_593] {strides = array<i32>} : memref<128x128xf32, #tpu.memory_space<vmem>>, vector<1x16xf32>,
    %swap3A_595 = vector.shape_cast %swap3A_594 : vector<1x16xf32> to vector<16xf32>
    %swap3A_596 = vector.shape_cast %scan3A_559#5 : vector<16xf32> to vector<1x16xf32>
    tpu.vector_store %arg7[%swap3A_592, %swap3A_593], %swap3A_596 {strides = array<i32>} : memref<128x128xf32, #tpu.memory_space<vmem>>, vector<1x16xf32>,
    %swap3A_597 = arith.constant 127 : i32
    %swap3A_598 = arith.index_cast %swap3A_597 : i32 to index
    %swap3A_599 = arith.constant 96 : index
    %swap3A_600 = tpu.vector_load %arg7[%swap3A_598, %swap3A_599] {strides = array<i32>} : memref<128x128xf32, #tpu.memory_space<vmem>>, vector<1x16xf32>,
    %swap3A_601 = vector.shape_cast %swap3A_600 : vector<1x16xf32> to vector<16xf32>
    %swap3A_602 = vector.shape_cast %scan3A_559#6 : vector<16xf32> to vector<1x16xf32>
    tpu.vector_store %arg7[%swap3A_598, %swap3A_599], %swap3A_602 {strides = array<i32>} : memref<128x128xf32, #tpu.memory_space<vmem>>, vector<1x16xf32>,
    %swap3A_603 = arith.constant 127 : i32
    %swap3A_604 = arith.index_cast %swap3A_603 : i32 to index
    %swap3A_605 = arith.constant 112 : index
    %swap3A_606 = tpu.vector_load %arg7[%swap3A_604, %swap3A_605] {strides = array<i32>} : memref<128x128xf32, #tpu.memory_space<vmem>>, vector<1x16xf32>,
    %swap3A_607 = vector.shape_cast %swap3A_606 : vector<1x16xf32> to vector<16xf32>
    %swap3A_608 = vector.shape_cast %scan3A_559#7 : vector<16xf32> to vector<1x16xf32>
    tpu.vector_store %arg7[%swap3A_604, %swap3A_605], %swap3A_608 {strides = array<i32>} : memref<128x128xf32, #tpu.memory_space<vmem>>, vector<1x16xf32>,
    "tpu.region"() ({
      %run_scoped3A = tpu.sem_alloc : memref<!tpu.dma_semaphore, #tpu.memory_space<semaphore_mem>>
      %dma_start3A_609 = arith.constant 0 : i32
      %dma_start3A_610 = tpu.memref_slice %arg4[%mul3A_2, %dma_start3A_609] : memref<4096x128xf32, #tpu.memory_space<hbm>> -> memref<128x128xf32, #tpu.memory_space<hbm>>
      %dma_start3A_611 = arith.constant 0 : i32
      %dma_start3A_612 = tpu.memref_slice %arg4[%mul3A_2, %dma_start3A_611] : memref<4096x128xf32, #tpu.memory_space<hbm>> -> memref<128x128xf32, #tpu.memory_space<hbm>>
      tpu.enqueue_dma source(%arg7 : memref<128x128xf32, #tpu.memory_space<vmem>>) target(%dma_start3A_612 : memref<128x128xf32, #tpu.memory_space<hbm>>) target_semaphore(%run_scoped3A : memref<!tpu.dma_semaphore, #tpu.memory_space<semaphore_mem>>)
      %dma_wait3A_613 = arith.constant 0 : i32
      %dma_wait3A_614 = tpu.memref_slice %arg4[%mul3A_2, %dma_wait3A_613] : memref<4096x128xf32, #tpu.memory_space<hbm>> -> memref<128x128xf32, #tpu.memory_space<hbm>>
      %dma_wait3A_615 = arith.constant 0 : i32
      %dma_wait3A_616 = tpu.memref_slice %arg4[%mul3A_2, %dma_wait3A_615] : memref<4096x128xf32, #tpu.memory_space<hbm>> -> memref<128x128xf32, #tpu.memory_space<hbm>>
      tpu.wait_dma2 semaphore(%run_scoped3A : memref<!tpu.dma_semaphore, #tpu.memory_space<semaphore_mem>>) src(%arg7 : memref<128x128xf32, #tpu.memory_space<vmem>>) dst(%dma_wait3A_616 : memref<128x128xf32, #tpu.memory_space<hbm>>)
      tpu.yield
    }) : () -> ()
    return
  }
}

module attributes {stable_mosaic.version = 14 : i64} {
  func.func @_tc_fc_body(%arg0: i32, %arg1: memref<1024x128xf32, #tpu.memory_space<vmem>>, %arg2: memref<128x512xf32, #tpu.memory_space<vmem>>, %arg3: memref<1x512xf32, #tpu.memory_space<vmem>>, %arg4: memref<1024x512xf32, #tpu.memory_space<vmem>>) attributes {dimension_semantics = [#tpu.dimension_semantics<arbitrary>], iteration_bounds = array<i64: 4>, scalar_prefetch = 0 : i64, scratch_operands = 0 : i64, tpu.core_type = #tpu.core_type<tc>, window_params = [{transform_indices = @transform_0, window_bounds = array<i64: 1024, 128>}, {pipeline_mode = #tpu.pipeline_mode<synchronous>, transform_indices = @transform_1, window_bounds = array<i64: 128, 512>}, {pipeline_mode = #tpu.pipeline_mode<synchronous>, transform_indices = @transform_2, window_bounds = array<i64: 1, 512>}, {transform_indices = @transform_3, window_bounds = array<i64: 1024, 512>}]} {
    %get3A = arith.constant 0 : index
    %get3A_0 = arith.constant 0 : index
    %get3A_1 = vector.load %arg1[%get3A, %get3A_0] : memref<1024x128xf32, #tpu.memory_space<vmem>>, vector<1024x128xf32>
    %mul3A = arith.constant 5.000000e-03 : f32
    %mul3A_2 = vector.broadcast %mul3A : f32 to vector<1024x128xf32>
    %mul3A_3 = arith.mulf %get3A_1, %mul3A_2 : vector<1024x128xf32>
    %get3A_4 = arith.constant 0 : index
    %get3A_5 = arith.constant 0 : index
    %get3A_6 = vector.load %arg2[%get3A_4, %get3A_5] : memref<128x512xf32, #tpu.memory_space<vmem>>, vector<128x512xf32>
    %dot_general3A = arith.constant dense<0.000000e+00> : vector<1024x512xf32>
    %dot_general3A_7 = tpu.matmul %mul3A_3, %get3A_6, %dot_general3A {dimension_numbers = #tpu.dot_dimension_numbers<[1], [0], [0], [1], [0, 0, 1, 1], [], []>, precision = #tpu.contract_precision<fp32>, transpose_lhs_hint = false} : vector<1024x128xf32>, vector<128x512xf32>, vector<1024x512xf32> -> vector<1024x512xf32>
    %get3A_8 = arith.constant 0 : index
    %get3A_9 = arith.constant 0 : index
    %get3A_10 = vector.load %arg3[%get3A_8, %get3A_9] : memref<1x512xf32, #tpu.memory_space<vmem>>, vector<1x512xf32>
    %add3A = vector.broadcast %get3A_10 : vector<1x512xf32> to vector<1024x512xf32>
    %add3A_11 = arith.addf %dot_general3A_7, %add3A : vector<1024x512xf32>
    %swap3A = arith.constant 0 : index
    %swap3A_12 = arith.constant 0 : index
    %swap3A_13 = vector.load %arg4[%swap3A, %swap3A_12] : memref<1024x512xf32, #tpu.memory_space<vmem>>, vector<1024x512xf32>
    tpu.vector_store %arg4[%swap3A, %swap3A_12], %add3A_11 {strides = array<i32>} : memref<1024x512xf32, #tpu.memory_space<vmem>>, vector<1024x512xf32>,
    return
  }
  func.func @transform_0(%arg0: i32) -> (i32, i32) {
    %c0_i32 = arith.constant 0 : i32
    %c0_i32_0 = arith.constant 0 : i32
    return %arg0, %c0_i32 : i32, i32
  }
  func.func @transform_1(%arg0: i32) -> (i32, i32) {
    %c0_i32 = arith.constant 0 : i32
    %c0_i32_0 = arith.constant 0 : i32
    %c0_i32_1 = arith.constant 0 : i32
    return %c0_i32, %c0_i32_0 : i32, i32
  }
  func.func @transform_2(%arg0: i32) -> (i32, i32) {
    %c0_i32 = arith.constant 0 : i32
    %c0_i32_0 = arith.constant 0 : i32
    %c0_i32_1 = arith.constant 0 : i32
    return %c0_i32, %c0_i32_0 : i32, i32
  }
  func.func @transform_3(%arg0: i32) -> (i32, i32) {
    %c0_i32 = arith.constant 0 : i32
    %c0_i32_0 = arith.constant 0 : i32
    return %arg0, %c0_i32 : i32, i32
  }
}

</mosaic_0001>

<sc_bundles>
// kernel: kernel.4.cloned.1.call-start
scs
__scs_entry_jumppad:
0x0: {  	(pc) =	sbr.rel $0x88, $3  }
0x1: {  	(tag) =	ssettag $0x0;
	lr =	simm.s32 $0x1  }
0x2: {  	[smem:$0x3F9D] =	sst lr;
	_ =	strace $0xD0000000  }
0x3: {  	_ = 	snop  }
0x4: {  	_ = 	snop  }
0x5: {  	_ = 	snop  }
0x6: {  	_ = 	snop  }
0x7: {  	_ = 	snop  }
__scs_overlays_trampoline_lowered:
0x8: {  	[smem:$0x3FAC] =	sst s0  }
0x9: {  	[smem:$0x3FAD] =	sst s1  }
0xa: {  	[smem:$0x3FAE] =	sst s2  }
0xb: {  	[smem:$0x3FAF] =	sst s3  }
0xc: {  	[smem:$0x3FB0] =	sst s4  }
0xd: {  	[smem:$0x3FB1] =	sst s5  }
0xe: {  	[smem:$0x3FB2] =	sst s6  }
0xf: {  	[smem:$0x3FB3] =	sst s7  }
0x10: {  	[smem:$0x3FB4] =	sst s8  }
0x11: {  	[smem:$0x3FB5] =	sst s9;
	s0 =	simm.s32 @!p0 $0x0  }
0x12: {  	s1 =	sld [smem:$0x3F9B];
	s0 =	simm.s32 @p0 $0x1  }
0x13: {  	[smem:$0x3FB6] =	sst s0;
	s0 =	simm.s32 @!p1 $0x0  }
0x14: {  	s2 =	sld [smem:$0x3F9A];
	s0 =	simm.s32 @p1 $0x1  }
0x15: {  	[smem:$0x3FB7] =	sst s0;
	s0 =	simm.s32 @!p2 $0x0  }
0x16: {  	s3 =	sld [smem:$0x3FDB];
	s0 =	simm.s32 @p2 $0x1  }
0x17: {  	s4 =	simm.s32 $0x1BF5;
	[smem:$0x3FB9] =	sst s0  }
0x18: {  	s0 =	sld [smem:$0x3F9C];
	_ =	swait.ge [sflag:s4], $0x0  }
0x19: {  	s7 =	sld [smem:$0x3F9D]  }
0x1a: {  	s8 =	sadd.s32 $0xFFFFE003, lr  }
0x1b: {  	s9 =	sadd.s32 $0xFFFFFEF7, lr;
	s5 =	simm.s32 $0xFFFFFFFF;
	p2 =	slt.u32 s8, $0xFFFFF086  }
0x1c: {  	p1 =	slt.u32 s9, $0xF7A;
	s5 =	simm.s32 @!p2 $0x0  }
0x1d: {  	s5 =	simm.s32 @p1 $0x1;
	p0 =	seq.s32 s7, s2  }
0x1e: {  	s7 =	smul.u32 @!p0 $0xF7A, s2;
	p2 =	seq.s32 @!p0 s5, $0x0  }
0x1f: {  	s9 =	smul.u32 $0xF7A, s1;
	s8 =	simm.s32 @!p0 $0x1BF5;
	p2 =	por !p2, p0  }
0x20: {  	[sflag:s8] =	ssyncset.s32 @!p0 $0xFFFFF086;
	s6 =	sadd.s32 @!p0 s3, s7;
	s7 =	simm.s32 @!p0 $0x108  }
0x21: {  	s3 =	sadd.s32 s3, s9;
	s6 =	sadd.s32 @!p0 $0x88, s6;
	s7 =	simm.s32 @p2 $0x1082  }
0x22: {  	[simem:s7], [sflag:s8] =	dma.local @!p0 [hbm:s6], $0xF7A  }
0x23: {  	s9 =	sor.u32 $0xD0000000, s2;
	s6 =	simm.s32 $0x108;
	_ =	swait.ge @!p0 [sflag:s8], $0x0  }
0x24: {  	s3 =	sadd.s32 $0x88, s3;
	s6 =	simm.s32 @!p1 $0x1082;
	[sflag:s4] =	ssyncset.s32 $0xFFFFF086  }
0x25: {  	[simem:s6], [sflag:s4] =	dma.local [hbm:s3], $0xF7A  }
0x26: {  	[smem:$0x3F9D] =	sst s1;
	(tag) =	ssettag s2;
	_ =	strace s9  }
0x27: {  	s1 =	sld [smem:$0x3FAD]  }
0x28: {  	s2 =	sld [smem:$0x3FAE]  }
0x29: {  	s4 =	sld [smem:$0x3FB0]  }
0x2a: {  	p0 =	seq.s32 s5, $0x0;
	s5 =	sld [smem:$0x3FB1]  }
0x2b: {  	s6 =	sld [smem:$0x3FB2]  }
0x2c: {  	s7 =	sld [smem:$0x3FB3]  }
0x2d: {  	s3 =	simm.s32 $0x108;
	s8 =	sld [smem:$0x3FB4]  }
0x2e: {  	s3 =	simm.s32 @!p0 $0x1082;
	s9 =	sld [smem:$0x3FB5]  }
0x2f: {  	lr =	sadd.s32 s0, s3;
	s0 =	sld [smem:$0x3FAC]  }
0x30: {  	s3 =	sld [smem:$0x3FAF]  }
0x31: {  	[smem:$0x3FB8] =	sst s10  }
0x32: {  	s10 =	sld [smem:$0x3FB6];
	_ =	sdelay $0x3  }
0x33: {  	p0 =	seq.s32 s10, $0x1;
	s10 =	sld [smem:$0x3FB8];
	_ =	sdelay $0x3  }
0x34: {  	[smem:$0x3FB8] =	sst s10  }
0x35: {  	s10 =	sld [smem:$0x3FB7];
	_ =	sdelay $0x3  }
0x36: {  	p1 =	seq.s32 s10, $0x1;
	s10 =	sld [smem:$0x3FB8];
	_ =	sdelay $0x3  }
0x37: {  	[smem:$0x3FB8] =	sst s10  }
0x38: {  	s10 =	sld [smem:$0x3FB9]  }
0x39: {  	_ = 	snop;
	(pc) =	sbr.ind lr, $3  }
0x3a: {  	_ = 	snop  }
0x3b: {  	_ = 	snop  }
0x3c: {  	p2 =	seq.s32 s10, $0x1;
	s10 =	sld [smem:$0x3FB8]  }
0x3d: {  	_ =	shalt  }
0x3e: {  	_ =	shalt  }
0x3f: {  	_ =	shalt  }
0x40: {  	_ =	shalt  }
0x41: {  	_ =	shalt  }
0x42: {  	_ =	shalt  }
0x43: {  	_ =	shalt  }
0x44: {  	_ =	shalt  }
0x45: {  	_ =	shalt  }
0x46: {  	_ =	shalt  }
0x47: {  	_ =	shalt  }
0x48: {  	_ =	shalt  }
0x49: {  	_ =	shalt  }
0x4a: {  	_ =	shalt  }
0x4b: {  	_ =	shalt  }
0x4c: {  	_ =	shalt  }
0x4d: {  	_ =	shalt  }
0x4e: {  	_ =	shalt  }
0x4f: {  	_ =	shalt  }
0x50: {  	_ =	shalt  }
0x51: {  	_ =	shalt  }
0x52: {  	_ =	shalt  }
0x53: {  	_ =	shalt  }
0x54: {  	_ =	shalt  }
0x55: {  	_ =	shalt  }
0x56: {  	_ =	shalt  }
0x57: {  	_ =	shalt  }
0x58: {  	_ =	shalt  }
0x59: {  	_ =	shalt  }
0x5a: {  	_ =	shalt  }
0x5b: {  	_ =	shalt  }
0x5c: {  	_ =	shalt  }
0x5d: {  	_ =	shalt  }
0x5e: {  	_ =	shalt  }
0x5f: {  	_ =	shalt  }
0x60: {  	_ =	shalt  }
0x61: {  	_ =	shalt  }
0x62: {  	_ =	shalt  }
0x63: {  	_ =	shalt  }
0x64: {  	_ =	shalt  }
0x65: {  	_ =	shalt  }
0x66: {  	_ =	shalt  }
0x67: {  	_ =	shalt  }
0x68: {  	_ =	shalt  }
0x69: {  	_ =	shalt  }
0x6a: {  	_ =	shalt  }
0x6b: {  	_ =	shalt  }
0x6c: {  	_ =	shalt  }
0x6d: {  	_ =	shalt  }
0x6e: {  	_ =	shalt  }
0x6f: {  	_ =	shalt  }
0x70: {  	_ =	shalt  }
0x71: {  	_ =	shalt  }
0x72: {  	_ =	shalt  }
0x73: {  	_ =	shalt  }
0x74: {  	_ =	shalt  }
0x75: {  	_ =	shalt  }
0x76: {  	_ =	shalt  }
0x77: {  	_ =	shalt  }
0x78: {  	_ =	shalt  }
0x79: {  	_ =	shalt  }
0x7a: {  	_ =	shalt  }
0x7b: {  	_ =	shalt  }
0x7c: {  	_ =	shalt  }
0x7d: {  	_ =	shalt  }
0x7e: {  	_ =	shalt  }
0x7f: {  	_ =	shalt  }
0x80: {  	_ =	shalt  }
0x81: {  	_ =	shalt  }
0x82: {  	_ =	shalt  }
0x83: {  	_ =	shalt  }
0x84: {  	_ =	shalt  }
0x85: {  	_ =	shalt  }
0x86: {  	_ =	shalt  }
0x87: {  	_ =	shalt  }
.Lfunc_end0:
.L_simem_size_0:
called_computation_lowered:
.L_overlay_start_0:
0x88: {  	s2 =	sld [smem:$0x3FD9]  }
0x89: {  	s3 =	sld [smem:$0x3FFE];
	_ =	sdelay $0x1  }
0x8a: {  	s1 =	srdreg.scid  }
0x8b: {  	s0 =	sand.u32 $0x1, s1  }
0x8c: {  	s17 =	sshll.u32 s0, $0xA;
	s2 =	sadd.s32 s3, s2  }
0x8d: {  	s2 =	sadd.s32 s2, s17  }
0x8e: {  	[smem:$0x3FC4] =	sst s2  }
0x8f: {  	_ = 	snop  }
0x90: {  	s2 =	sld [smem:$0x3FC8]  }
0x91: {  	s18 =	sld [smem:$0x3FD0];
	(tm) =	ssettm $0x1  }
0x92: {  	s4 =	sld [smem:$0x3FFB];
	_ =	sdelay $0x3  }
0x93: {  	_ =	strace s4  }
0x94: {  	s4 =	sld [smem:$0x3FFC];
	_ =	sdelay $0x3  }
0x95: {  	_ =	strace s4  }
0x96: {  	s4 =	sld [smem:$0x3FFD];
	_ =	sdelay $0x3  }
0x97: {  	_ =	strace s4  }
0x98: {  	_ =	strace $0x8FFFFFFF  }
0x99: {  	s19 =	sld [smem:$0x3FDB];
	_ =	sdelay $0x1  }
0x9a: {  	s5 =	simm.s32 $_scs_section_size  }
0x9b: {  	s6 =	simm.s32 $_size__tile_overlayer_lowered;
	s7 =	simm.s32 $_tile_overlayer_lowered  }
0x9c: {  	s22 =	simm.s32 $0x1BFF;
	s21 =	sshll.u32 s7, $0x1;
	s4 =	sadd.s32 s5, s19  }
0x9d: {  	s8 =	simm.s32 $0x0;
	s20 =	sshll.u32 s6, $0x1;
	s6 =	sadd.s32 s21, s4  }
0x9e: {  	[timem:s8], [sflag:s22] =	dma.local [hbm:s6], s20  }
0x9f: {  	_ =	swait.ge [sflag:s22], s20  }
0xa0: {  	s5 =	ssub.s32 $0x0, s20;
	[sflag:s22] =	ssyncset.done $0x0  }
0xa1: {  	[sflag:s22] =	ssyncadd.s32 s5;
	_ =	sdelay $0x1  }
0xa2: {  	s23 =	simm.s32 $0x1B8B  }
0xa3: {  	_ =	swait.ge [sflag:s23], $0x1  }
0xa4: {  	[sflag:s23] =	ssyncset.done $0x0  }
0xa5: {  	s25 =	simm.s32 $0x1B8E;
	s24 =	sld [smem:$0x3FFE];
	[sflag:s23] =	ssyncadd.s32 $0xFFFFFFFF  }
0xa6: {  	s26 =	simm.s32 $execute0_lowered;
	[smem:$0x3FD2] =	sst s25  }
0xa7: {  	s6 =	sshll.u32 s26, $0x1;
	_ =	strace $0x80000046;
	[dreg:$0x1] =	wrdreg $0xFFFFFFFF  }
0xa8: {  	s28 =	simm.s32 $_size_execute0_lowered;
	s4 =	sadd.s32 s4, s6;
	[dreg:$0x0] =	wrdreg $0x0  }
0xa9: {  	s6 =	sshll.u32 s28, $0x1;
	[dreg:$0x2] =	wrdreg s4  }
0xaa: {  	[dreg:$0x3] =	wrdreg s6  }
0xab: {  	[dreg:$0x4] =	wrdreg $0xC0  }
0xac: {  	_ =	task [dreg:s8], $0x5FFFF  }
0xad: {  	[dreg:$0x1] =	wrdreg $0xFFFFFFFF  }
0xae: {  	[dreg:$0x0] =	wrdreg $0x60  }
0xaf: {  	[dreg:$0x2] =	wrdreg s18  }
0xb0: {  	[dreg:$0x3] =	wrdreg s2  }
0xb1: {  	[dreg:$0x4] =	wrdreg s24  }
0xb2: {  	[dreg:$0x5] =	wrdreg $0x9  }
0xb3: {  	_ =	task.clear_ibuf [dreg:s8], $0x6FFFF;
	_ =	strace $0x90000046  }
0xb4: {  	s29 =	simm.s32 $0x9;
	_ =	strace $0x80000048  }
0xb5: {  	_ =	swait.ge [sflag:s29], $0x1  }
0xb6: {  	[sflag:s29] =	ssyncadd.s32 $0xFFFFFFFF  }
0xb7: {  	_ =	strace $0x90000048  }
0xb8: {  	_ =	sfence  }
0xb9: {  	s30 =	sld [smem:$0x0];
	_ =	sdelay $0x2  }
0xba: {  	s31 =	sshll.u32 s1, $0xD;
	s1 =	sshrl.u32 s1, $0x2  }
0xbb: {  	s3 =	sand.u32 $0x4000, s31;
	s1 =	sadd.s32 s1, s30  }
0xbc: {  	s0 =	sor.u32 s3, s0;
	s1 =	sshll.u32 s1, $0x11  }
0xbd: {  	s0 =	sor.u32 s1, s0  }
0xbe: {  	s0 =	sadd.s32 $0x8F2B, s0  }
0xbf: {  	[sflag:s0] =	ssyncadd.remote.s32 $0x1  }
0xc0: {  	_ =	sfence.sel $0xFFFF  }
0xc1: {  	[dreg:$0x0] =	wrdreg $0xFFFFFFFF;
	(pc) =	sbr.abs _section_cstart, $3  }
0xc2: {  	[dreg:$0x1] =	wrdreg $0xFFFFFFFF  }
0xc3: {  	_ =	task.clear_ibuf [dreg:s8], $0x2FFFF;
	_ =	strace $0x9FFFFFFF  }
0xc4: {  	(tm) =	ssettm $0x7FFFFFFF  }
0xc5: {  	_ =	shalt  }
tec
execute0_lowered:
.L_overlay_start_1:
0x0: {  	(tag) =	ssettag $0x1  }
0x1: {  	s0 =	rddreg [dreg:$0x0]  }
0x2: {  	s2 =	rddreg [dreg:$0x1]  }
0x3: {  	s1 =	rddreg [dreg:$0x2]  }
0x4: {  	s3 =	srdreg.scid;
	s5 =	stileid.u32  }
0x5: {  	s8 =	simm.s32 $0x40;
	s9 =	simm.s32 $0x8000;
	s10 =	simm.s32 $0xA000  }
0x6: {  	s11 =	simm.s32 $0x48;
	s13 =	simm.s32 $0xC000;
	s15 =	simm.s32 $0xE400  }
0x7: {  	s17 =	simm.s32 $0x10400;
	s19 =	simm.s32 $0x12400;
	s21 =	simm.s32 $0x14800  }
0x8: {  	s23 =	simm.s32 $0x16800;
	s25 =	simm.s32 $0x18800;
	s26 =	simm.s32 $0x1  }
0x9: {  	s28 =	simm.s32 $0x2;
	s29 =	simm.s32 $0x3;
	s12 =	simm.s32 $0x7BC0  }
0xa: {  	s14 =	simm.s32 $0x7F80;
	s16 =	simm.s32 $0x1AC00;
	s18 =	simm.s32 $0x0  }
0xb: {  	s4 =	sand.u32 $0x1, s3;
	s3 =	simm.s32 $0x0;
	s5 =	sshll.u32 s5, $0x8  }
0xc: {  	s6 =	sshll.u32 s4, $0x7;
	[smem:$0x7FF] =	sst s3;
	s4 =	ssub.s32 $0x2, s4  }
0xd: {  	s5 =	sor.u32 s6, s5;
	_ =	strace $0x80000047;
	s7 =	sshrl.u32 s4, $0x1  }
0xe: {  	s6 =	sshll.u32 s5, $0x4;
	s30 =	ssub.s32 s4, s7;
	s31 =	sshll.u32 s5, $0x5  }
0xf: {  	s7 =	simm.s32 $0x4;
	s1 =	sadd.s32 s6, s1;
	s4 =	sadd.s32 s0, s31  }
0x10: {  	s6 =	smax.u32 s30, $0x1;
	s5 =	sadd.s32 $0xA00, s1;
	s1 =	simm.s32 $0x7B80  }
.LBB2_1:
0x11: {  	[tilespmem:s3], [sflag:$0x4] =	stream.linear.gather [hbm4b:s4+s3], $0x8000, $0x38;
	[tilespmem:$0x1EC00] =	vst v63  }
0x12: {  	_ =	swait.ge [sflag:s7], $0x8000  }
0x13: {  	[sflag:s7] =	ssyncset.done $0x0  }
0x14: {  	[sflag:s7] =	ssyncadd.s32 $0xFFFF8000  }
0x15: {  	[tilespmem:s9], [sflag:$0x1] =	stream.indirect.gather [hbm4b:s2+s8], $0x80, s3, s8, $0xb8;
	[tilespmem:$0x1EC00] =	vst v63  }
0x16: {  	_ = 	snop  }
0x17: {  	[tilespmem:s10], [sflag:$0x1] =	stream.indirect.gather [hbm4b:s2+s8], $0x80, s8, s8, $0xb8;
	[tilespmem:$0x1EC00] =	vst v63  }
0x18: {  	s0 =	simm.s32 $0x400  }
0x19: {  	[tilespmem:s13], [sflag:$0x1] =	stream.indirect.gather [hbm4b:s2+s11], $0x80, s0, s11, $0xb8;
	[tilespmem:$0x1EC00] =	vst v63  }
0x1a: {  	s31 =	simm.s32 $0x80  }
0x1b: {  	[tilespmem:s15], [sflag:$0x2] =	stream.indirect.gather [hbm4b:s2+s8], $0x80, s31, s8, $0xb8;
	[tilespmem:$0x1EC00] =	vst v63  }
0x1c: {  	s20 =	simm.s32 $0xC0  }
0x1d: {  	[tilespmem:s17], [sflag:$0x2] =	stream.indirect.gather [hbm4b:s2+s8], $0x80, s20, s8, $0xb8;
	[tilespmem:$0x1EC00] =	vst v63  }
0x1e: {  	s22 =	simm.s32 $0x480  }
0x1f: {  	[tilespmem:s19], [sflag:$0x2] =	stream.indirect.gather [hbm4b:s2+s11], $0x80, s22, s11, $0xb8;
	[tilespmem:$0x1EC00] =	vst v63  }
0x20: {  	s24 =	simm.s32 $0x100  }
0x21: {  	[tilespmem:s21], [sflag:$0x3] =	stream.indirect.gather [hbm4b:s2+s8], $0x80, s24, s8, $0xb8;
	[tilespmem:$0x1EC00] =	vst v63  }
0x22: {  	s30 =	simm.s32 $0x140  }
0x23: {  	[tilespmem:s23], [sflag:$0x3] =	stream.indirect.gather [hbm4b:s2+s8], $0x80, s30, s8, $0xb8;
	[tilespmem:$0x1EC00] =	vst v63  }
0x24: {  	s31 =	simm.s32 $0x500;
	s20 =	simm.s32 $0x0  }
0x25: {  	[tilespmem:s25], [sflag:$0x3] =	stream.indirect.gather [hbm4b:s2+s11], $0x80, s31, s11, $0xb8;
	[tilespmem:$0x1EC00] =	vst v63  }
.LBB2_2:
0x26: {  	_ =	swait.ge [sflag:s26], $0x6400  }
0x27: {  	[sflag:s26] =	ssyncset.done $0x0  }
0x28: {  	s30 =	simm.s32 $0x0;
	[sflag:s26] =	ssyncadd.s32 $0xFFFF9C00  }
0x29: {  	v0 =	vld [tilespmem:s30+$0x8070]  }
0x2a: {  	v2 =	vld [tilespmem:s30+$0x8000]  }
0x2b: {  	v3 =	vld [tilespmem:s30+$0x8010]  }
0x2c: {  	v12 =	vld [tilespmem:s30+$0x8020]  }
0x2d: {  	v10 =	vld [tilespmem:s30+$0x8030]  }
0x2e: {  	v1 =	vimm.f32 $0.0e+00;
	v7 =	vimm.f32 $0.0e+00;
	v5 =	vld [tilespmem:s30+$0x8040]  }
0x2f: {  	v8 =	vimm.f32 $0.0e+00;
	v9 =	vld [tilespmem:s30+$0x8050];
	v0 =	vadd.f32 v0, v1;
	v6 =	vadd.f32 v2, v1  }
0x30: {  	s22 =	simm.s32 $0x80;
	s24 =	simm.s32 $0x400;
	v11 =	vld [tilespmem:s30+$0x8060];
	v4 =	vadd.f32 v3, v1;
	v3 =	vimm.f32 $0.0e+00;
	v2 =	vimm.f32 $0.0e+00  }
.LBB2_3:
0x31: {  	p0 =	sne.s32 s24, $0x18E00;
	v13 =	vld [tilespmem:s22+$0x8070];
	v1 =	vadd.f32 v12, v1  }
0x32: {  	v14 =	vld [tilespmem:s22+$0x8000];
	v7 =	vadd.f32 v10, v7  }
0x33: {  	v15 =	vld [tilespmem:s22+$0x8010];
	v8 =	vadd.f32 v5, v8  }
.Ltmp0:
0x34: {  	v12 =	vld [tilespmem:s22+$0x8020];
	v3 =	vadd.f32 v9, v3;
	(pc) =	sbr.rel @p0 .LBB2_3-.Ltmp0, $4  }
0x35: {  	v10 =	vld [tilespmem:s22+$0x8030];
	v2 =	vadd.f32 v11, v2  }
0x36: {  	v5 =	vld [tilespmem:s22+$0x8040];
	v0 =	vadd.f32 v13, v0  }
0x37: {  	v6 =	vadd.f32 v14, v6;
	v9 =	vld [tilespmem:s22+$0x8050]  }
0x38: {  	v4 =	vadd.f32 v15, v4;
	v11 =	vld [tilespmem:s22+$0x8060];
	s22 =	sshra.s32 s24, $0x2;
	s24 =	sadd.s32 $0x200, s24  }
0x39: {  	v13 =	vld [tilespmem:s22+$0x8070]  }
0x3a: {  	v14 =	vld [tilespmem:s22+$0x8000]  }
0x3b: {  	v15 =	vld [tilespmem:s22+$0x8010]  }
0x3c: {  	v16 =	vld [tilespmem:s22+$0x8020]  }
0x3d: {  	v17 =	vld [tilespmem:s22+$0x8030]  }
0x3e: {  	s24 =	smul.u32 $0x600, s20;
	v7 =	vadd.f32 v10, v7;
	v10 =	vld [tilespmem:s22+$0x8060]  }
0x3f: {  	v18 =	vld [tilespmem:s22+$0x8040];
	v1 =	vadd.f32 v12, v1;
	v6 =	vadd.f32 v14, v6  }
0x40: {  	v12 =	vld [tilespmem:s22+$0x8050];
	s22 =	sshra.s32 s24, $0x2;
	v4 =	vadd.f32 v15, v4  }
0x41: {  	v2 =	vadd.f32 v11, v2;
	v1 =	vadd.f32 v16, v1;
	[tilespmem:s22+$0x1AC00] =	vst v6  }
0x42: {  	v0 =	vadd.f32 v13, v0;
	[tilespmem:s22+$0x1AC10] =	vst v4  }
0x43: {  	v5 =	vadd.f32 v5, v8;
	s24 =	smul.u32 $0x3, s20;
	v2 =	vadd.f32 v10, v2;
	[tilespmem:s22+$0x1AC20] =	vst v1  }
0x44: {  	v3 =	vadd.f32 v9, v3;
	v6 =	vadd.f32 v17, v7;
	[tilespmem:s22+$0x1AC70] =	vst v0  }
0x45: {  	s30 =	sadd.s32 $0x3, s24;
	v4 =	vadd.f32 v18, v5;
	[tilespmem:s22+$0x1AC60] =	vst v2  }
0x46: {  	s31 =	sshll.u32 s30, $0x8;
	s30 =	sshll.u32 s30, $0x7;
	v1 =	vadd.f32 v12, v3;
	[tilespmem:s22+$0x1AC30] =	vst v6  }
0x47: {  	s31 =	sand.u32 $0x1F800, s31;
	s30 =	sand.u32 $0x380, s30;
	[tilespmem:s22+$0x1AC40] =	vst v4  }
0x48: {  	s30 =	sor.u32 s30, s31;
	[tilespmem:s22+$0x1AC50] =	vst v1  }
0x49: {  	[tilespmem:s9], [sflag:$0x1] =	stream.indirect.gather [hbm4b:s2+s8], $0x80, s30, s8, $0xb8;
	[tilespmem:$0x1EC00] =	vst v63  }
0x4a: {  	s31 =	sor.u32 $0x40, s30  }
0x4b: {  	[tilespmem:s10], [sflag:$0x1] =	stream.indirect.gather [hbm4b:s2+s8], $0x80, s31, s8, $0xb8;
	[tilespmem:$0x1EC00] =	vst v63  }
0x4c: {  	s30 =	sor.u32 $0x400, s30  }
0x4d: {  	[tilespmem:s13], [sflag:$0x1] =	stream.indirect.gather [hbm4b:s2+s11], $0x80, s30, s11, $0xb8;
	[tilespmem:$0x1EC00] =	vst v63  }
0x4e: {  	_ =	swait.ge [sflag:s28], $0x6400  }
0x4f: {  	[sflag:s28] =	ssyncset.done $0x0  }
0x50: {  	s0 =	simm.s32 $0x0;
	[sflag:s28] =	ssyncadd.s32 $0xFFFF9C00  }
0x51: {  	v0 =	vld [tilespmem:s0+$0xE470]  }
0x52: {  	v2 =	vld [tilespmem:s0+$0xE400]  }
0x53: {  	v3 =	vld [tilespmem:s0+$0xE410]  }
0x54: {  	v11 =	vld [tilespmem:s0+$0xE420]  }
0x55: {  	v10 =	vld [tilespmem:s0+$0xE430]  }
0x56: {  	v8 =	vimm.f32 $0.0e+00;
	v1 =	vimm.f32 $0.0e+00;
	v7 =	vld [tilespmem:s0+$0xE440]  }
0x57: {  	v6 =	vimm.f32 $0.0e+00;
	v4 =	vimm.f32 $0.0e+00;
	v9 =	vld [tilespmem:s0+$0xE450];
	v0 =	vadd.f32 v0, v1  }
0x58: {  	s31 =	simm.s32 $0x400;
	s30 =	simm.s32 $0x80;
	v12 =	vld [tilespmem:s0+$0xE460];
	v5 =	vadd.f32 v2, v1;
	v3 =	vadd.f32 v3, v1;
	v2 =	vimm.f32 $0.0e+00  }
.LBB2_5:
0x59: {  	p0 =	sne.s32 s31, $0x18E00;
	v13 =	vld [tilespmem:s30+$0xE470];
	v1 =	vadd.f32 v11, v1  }
0x5a: {  	v14 =	vld [tilespmem:s30+$0xE400];
	v6 =	vadd.f32 v10, v6  }
0x5b: {  	v15 =	vld [tilespmem:s30+$0xE410];
	v8 =	vadd.f32 v7, v8  }
.Ltmp1:
0x5c: {  	v11 =	vld [tilespmem:s30+$0xE420];
	v4 =	vadd.f32 v9, v4;
	(pc) =	sbr.rel @p0 .LBB2_5-.Ltmp1, $4  }
0x5d: {  	v10 =	vld [tilespmem:s30+$0xE430];
	v2 =	vadd.f32 v12, v2  }
0x5e: {  	v7 =	vld [tilespmem:s30+$0xE440];
	v0 =	vadd.f32 v13, v0  }
0x5f: {  	v5 =	vadd.f32 v14, v5;
	v9 =	vld [tilespmem:s30+$0xE450]  }
0x60: {  	v3 =	vadd.f32 v15, v3;
	v12 =	vld [tilespmem:s30+$0xE460];
	s30 =	sshra.s32 s31, $0x2;
	s31 =	sadd.s32 $0x200, s31  }
0x61: {  	v14 =	vld [tilespmem:s30+$0xE400]  }
0x62: {  	v15 =	vld [tilespmem:s30+$0xE410]  }
0x63: {  	v16 =	vld [tilespmem:s30+$0xE420]  }
0x64: {  	v13 =	vld [tilespmem:s30+$0xE470]  }
0x65: {  	v6 =	vadd.f32 v10, v6;
	v10 =	vld [tilespmem:s30+$0xE460]  }
0x66: {  	v17 =	vld [tilespmem:s30+$0xE430];
	v1 =	vadd.f32 v11, v1;
	v5 =	vadd.f32 v14, v5  }
0x67: {  	v18 =	vld [tilespmem:s30+$0xE440];
	v3 =	vadd.f32 v15, v3  }
0x68: {  	v11 =	vld [tilespmem:s30+$0xE450];
	v2 =	vadd.f32 v12, v2;
	v1 =	vadd.f32 v16, v1;
	[tilespmem:s22+$0x1AC80] =	vst v5  }
0x69: {  	v0 =	vadd.f32 v13, v0;
	[tilespmem:s22+$0x1AC90] =	vst v3  }
0x6a: {  	v7 =	vadd.f32 v7, v8;
	v2 =	vadd.f32 v10, v2;
	[tilespmem:s22+$0x1ACA0] =	vst v1  }
0x6b: {  	v4 =	vadd.f32 v9, v4;
	v5 =	vadd.f32 v17, v6;
	[tilespmem:s22+$0x1ACF0] =	vst v0  }
0x6c: {  	s0 =	sadd.s32 $0x4, s24;
	v3 =	vadd.f32 v18, v7;
	[tilespmem:s22+$0x1ACE0] =	vst v2  }
0x6d: {  	s30 =	sshll.u32 s0, $0x8;
	s0 =	sshll.u32 s0, $0x7;
	v1 =	vadd.f32 v11, v4;
	[tilespmem:s22+$0x1ACB0] =	vst v5  }
0x6e: {  	s30 =	sand.u32 $0x1F800, s30;
	s0 =	sand.u32 $0x380, s0;
	[tilespmem:s22+$0x1ACC0] =	vst v3  }
0x6f: {  	s0 =	sor.u32 s0, s30;
	[tilespmem:s22+$0x1ACD0] =	vst v1  }
0x70: {  	[tilespmem:s15], [sflag:$0x2] =	stream.indirect.gather [hbm4b:s2+s8], $0x80, s0, s8, $0xb8;
	[tilespmem:$0x1EC00] =	vst v63  }
0x71: {  	s30 =	sor.u32 $0x40, s0  }
0x72: {  	[tilespmem:s17], [sflag:$0x2] =	stream.indirect.gather [hbm4b:s2+s8], $0x80, s30, s8, $0xb8;
	[tilespmem:$0x1EC00] =	vst v63  }
0x73: {  	s0 =	sor.u32 $0x400, s0  }
0x74: {  	[tilespmem:s19], [sflag:$0x2] =	stream.indirect.gather [hbm4b:s2+s11], $0x80, s0, s11, $0xb8;
	[tilespmem:$0x1EC00] =	vst v63  }
0x75: {  	_ =	swait.ge [sflag:s29], $0x6400  }
0x76: {  	[sflag:s29] =	ssyncset.done $0x0  }
0x77: {  	s0 =	simm.s32 $0x0;
	[sflag:s29] =	ssyncadd.s32 $0xFFFF9C00  }
0x78: {  	v0 =	vld [tilespmem:s0+$0x14870]  }
0x79: {  	v2 =	vld [tilespmem:s0+$0x14800]  }
0x7a: {  	v3 =	vld [tilespmem:s0+$0x14810]  }
0x7b: {  	v11 =	vld [tilespmem:s0+$0x14820]  }
0x7c: {  	v10 =	vld [tilespmem:s0+$0x14830]  }
0x7d: {  	v8 =	vimm.f32 $0.0e+00;
	v1 =	vimm.f32 $0.0e+00;
	v7 =	vld [tilespmem:s0+$0x14840]  }
0x7e: {  	v6 =	vimm.f32 $0.0e+00;
	v4 =	vimm.f32 $0.0e+00;
	v9 =	vld [tilespmem:s0+$0x14850];
	v0 =	vadd.f32 v0, v1  }
0x7f: {  	s31 =	simm.s32 $0x400;
	s30 =	simm.s32 $0x80;
	v12 =	vld [tilespmem:s0+$0x14860];
	v5 =	vadd.f32 v2, v1;
	v3 =	vadd.f32 v3, v1;
	v2 =	vimm.f32 $0.0e+00  }
.LBB2_7:
0x80: {  	p0 =	sne.s32 s31, $0x18E00;
	v13 =	vld [tilespmem:s30+$0x14870];
	v1 =	vadd.f32 v11, v1  }
0x81: {  	v14 =	vld [tilespmem:s30+$0x14800];
	v6 =	vadd.f32 v10, v6  }
0x82: {  	v15 =	vld [tilespmem:s30+$0x14810];
	v8 =	vadd.f32 v7, v8  }
.Ltmp2:
0x83: {  	v11 =	vld [tilespmem:s30+$0x14820];
	v4 =	vadd.f32 v9, v4;
	(pc) =	sbr.rel @p0 .LBB2_7-.Ltmp2, $4  }
0x84: {  	v10 =	vld [tilespmem:s30+$0x14830];
	v2 =	vadd.f32 v12, v2  }
0x85: {  	v7 =	vld [tilespmem:s30+$0x14840];
	v0 =	vadd.f32 v13, v0  }
0x86: {  	v5 =	vadd.f32 v14, v5;
	v9 =	vld [tilespmem:s30+$0x14850]  }
0x87: {  	v3 =	vadd.f32 v15, v3;
	v12 =	vld [tilespmem:s30+$0x14860];
	s30 =	sshra.s32 s31, $0x2;
	s31 =	sadd.s32 $0x200, s31  }
0x88: {  	v14 =	vld [tilespmem:s30+$0x14800]  }
0x89: {  	v15 =	vld [tilespmem:s30+$0x14810]  }
0x8a: {  	v16 =	vld [tilespmem:s30+$0x14820]  }
0x8b: {  	v17 =	vld [tilespmem:s30+$0x14830]  }
0x8c: {  	v18 =	vld [tilespmem:s30+$0x14840]  }
0x8d: {  	v1 =	vadd.f32 v11, v1;
	v59 =	vld [tilespmem:s30+$0x14850];
	v5 =	vadd.f32 v14, v5  }
0x8e: {  	v13 =	vld [tilespmem:s30+$0x14870];
	v6 =	vadd.f32 v10, v6;
	v3 =	vadd.f32 v15, v3  }
0x8f: {  	v60 =	vld [tilespmem:s30+$0x14860];
	v7 =	vadd.f32 v7, v8;
	v1 =	vadd.f32 v16, v1;
	[tilespmem:s22+$0x1AD00] =	vst v5  }
0x90: {  	v4 =	vadd.f32 v9, v4;
	v61 =	vadd.f32 v17, v6;
	[tilespmem:s22+$0x1AD10] =	vst v3  }
0x91: {  	v62 =	vadd.f32 v18, v7;
	[tilespmem:s22+$0x1AD20] =	vst v1  }
0x92: {  	v2 =	vadd.f32 v12, v2;
	v63 =	vadd.f32 v59, v4;
	[tilespmem:s22+$0x1AD30] =	vst v61  }
0x93: {  	s0 =	sadd.s32 $0x5, s24;
	v0 =	vadd.f32 v13, v0;
	[tilespmem:s22+$0x1AD40] =	vst v62  }
0x94: {  	s24 =	sshll.u32 s0, $0x8;
	s0 =	sshll.u32 s0, $0x7;
	v2 =	vadd.f32 v60, v2;
	[tilespmem:s22+$0x1AD50] =	vst v63  }
0x95: {  	s20 =	sadd.s32 $0x1, s20;
	s24 =	sand.u32 $0x1F800, s24;
	s0 =	sand.u32 $0x380, s0;
	[tilespmem:s22+$0x1AD70] =	vst v0  }
0x96: {  	p0 =	sne.s32 s20, $0x29;
	s0 =	sor.u32 s0, s24;
	[tilespmem:s22+$0x1AD60] =	vst v2  }
0x97: {  	[tilespmem:s21], [sflag:$0x3] =	stream.indirect.gather [hbm4b:s2+s8], $0x80, s0, s8, $0xb8;
	[tilespmem:$0x1EC00] =	vst v63  }
.Ltmp3:
0x98: {  	_ = 	snop;
	(pc) =	sbr.rel @p0 .LBB2_2-.Ltmp3, $4  }
0x99: {  	s31 =	sor.u32 $0x40, s0  }
0x9a: {  	[tilespmem:s23], [sflag:$0x3] =	stream.indirect.gather [hbm4b:s2+s8], $0x80, s31, s8, $0xb8;
	[tilespmem:$0x1EC00] =	vst v63  }
0x9b: {  	s0 =	sor.u32 $0x400, s0  }
0x9c: {  	[tilespmem:s25], [sflag:$0x3] =	stream.indirect.gather [hbm4b:s2+s11], $0x80, s0, s11, $0xb8;
	[tilespmem:$0x1EC00] =	vst v63  }
0x9d: {  	_ =	swait.ge [sflag:s26], $0x6400  }
0x9e: {  	[sflag:s26] =	ssyncset.done $0x0  }
0x9f: {  	s0 =	simm.s32 $0x0;
	[sflag:s26] =	ssyncadd.s32 $0xFFFF9C00  }
0xa0: {  	v0 =	vld [tilespmem:s0+$0x8070]  }
0xa1: {  	v2 =	vld [tilespmem:s0+$0x8000]  }
0xa2: {  	v3 =	vld [tilespmem:s0+$0x8010]  }
0xa3: {  	v11 =	vld [tilespmem:s0+$0x8020]  }
0xa4: {  	v10 =	vld [tilespmem:s0+$0x8030]  }
0xa5: {  	v1 =	vimm.f32 $0.0e+00;
	v6 =	vimm.f32 $0.0e+00;
	v7 =	vld [tilespmem:s0+$0x8040]  }
0xa6: {  	v8 =	vimm.f32 $0.0e+00;
	v4 =	vimm.f32 $0.0e+00;
	v9 =	vld [tilespmem:s0+$0x8050];
	v0 =	vadd.f32 v0, v1  }
0xa7: {  	s20 =	simm.s32 $0x80;
	s22 =	simm.s32 $0x400;
	v12 =	vld [tilespmem:s0+$0x8060];
	v5 =	vadd.f32 v2, v1;
	v3 =	vadd.f32 v3, v1;
	v2 =	vimm.f32 $0.0e+00  }
.LBB2_10:
0xa8: {  	p0 =	sne.s32 s22, $0x18E00;
	v13 =	vld [tilespmem:s20+$0x8070];
	v1 =	vadd.f32 v11, v1  }
0xa9: {  	v14 =	vld [tilespmem:s20+$0x8000];
	v6 =	vadd.f32 v10, v6  }
0xaa: {  	v15 =	vld [tilespmem:s20+$0x8010];
	v8 =	vadd.f32 v7, v8  }
.Ltmp4:
0xab: {  	v11 =	vld [tilespmem:s20+$0x8020];
	v4 =	vadd.f32 v9, v4;
	(pc) =	sbr.rel @p0 .LBB2_10-.Ltmp4, $4  }
0xac: {  	v10 =	vld [tilespmem:s20+$0x8030];
	v2 =	vadd.f32 v12, v2  }
0xad: {  	v7 =	vld [tilespmem:s20+$0x8040];
	v0 =	vadd.f32 v13, v0  }
0xae: {  	v5 =	vadd.f32 v14, v5;
	v9 =	vld [tilespmem:s20+$0x8050]  }
0xaf: {  	v3 =	vadd.f32 v15, v3;
	v12 =	vld [tilespmem:s20+$0x8060];
	s20 =	sshra.s32 s22, $0x2;
	s22 =	sadd.s32 $0x200, s22  }
0xb0: {  	v14 =	vld [tilespmem:s20+$0x8000]  }
0xb1: {  	v15 =	vld [tilespmem:s20+$0x8010]  }
0xb2: {  	v16 =	vld [tilespmem:s20+$0x8020]  }
0xb3: {  	v13 =	vld [tilespmem:s20+$0x8070]  }
0xb4: {  	v6 =	vadd.f32 v10, v6;
	v10 =	vld [tilespmem:s20+$0x8060]  }
0xb5: {  	v17 =	vld [tilespmem:s20+$0x8030];
	v1 =	vadd.f32 v11, v1;
	v5 =	vadd.f32 v14, v5  }
0xb6: {  	v18 =	vld [tilespmem:s20+$0x8040];
	v3 =	vadd.f32 v15, v3  }
0xb7: {  	v11 =	vld [tilespmem:s20+$0x8050];
	v2 =	vadd.f32 v12, v2;
	v1 =	vadd.f32 v16, v1;
	[tilespmem:$0x1E980] =	vst v5  }
0xb8: {  	v0 =	vadd.f32 v13, v0;
	[tilespmem:$0x1E990] =	vst v3  }
0xb9: {  	v7 =	vadd.f32 v7, v8;
	v2 =	vadd.f32 v10, v2;
	[tilespmem:$0x1E9A0] =	vst v1  }
0xba: {  	v4 =	vadd.f32 v9, v4;
	v5 =	vadd.f32 v17, v6;
	[tilespmem:$0x1E9F0] =	vst v0  }
0xbb: {  	v3 =	vadd.f32 v18, v7;
	[tilespmem:$0x1E9E0] =	vst v2  }
0xbc: {  	v1 =	vadd.f32 v11, v4;
	[tilespmem:$0x1E9B0] =	vst v5  }
0xbd: {  	[tilespmem:$0x1E9C0] =	vst v3  }
0xbe: {  	s0 =	simm.s32 $0x7B00;
	[tilespmem:$0x1E9D0] =	vst v1  }
0xbf: {  	[tilespmem:s9], [sflag:$0x1] =	stream.indirect.gather [hbm4b:s2+s8], $0x80, s0, s8, $0xb8;
	[tilespmem:$0x1EC00] =	vst v63  }
0xc0: {  	s24 =	simm.s32 $0x7B40  }
0xc1: {  	[tilespmem:s10], [sflag:$0x1] =	stream.indirect.gather [hbm4b:s2+s8], $0x80, s24, s8, $0xb8;
	[tilespmem:$0x1EC00] =	vst v63  }
0xc2: {  	s30 =	simm.s32 $0x7F00  }
0xc3: {  	[tilespmem:s13], [sflag:$0x1] =	stream.indirect.gather [hbm4b:s2+s11], $0x80, s30, s11, $0xb8;
	[tilespmem:$0x1EC00] =	vst v63  }
0xc4: {  	_ =	swait.ge [sflag:s28], $0x6400  }
0xc5: {  	[sflag:s28] =	ssyncset.done $0x0  }
0xc6: {  	s31 =	simm.s32 $0x0;
	[sflag:s28] =	ssyncadd.s32 $0xFFFF9C00  }
0xc7: {  	v0 =	vld [tilespmem:s31+$0xE470]  }
0xc8: {  	v2 =	vld [tilespmem:s31+$0xE400]  }
0xc9: {  	v3 =	vld [tilespmem:s31+$0xE410]  }
0xca: {  	v11 =	vld [tilespmem:s31+$0xE420]  }
0xcb: {  	v10 =	vld [tilespmem:s31+$0xE430]  }
0xcc: {  	v8 =	vimm.f32 $0.0e+00;
	v1 =	vimm.f32 $0.0e+00;
	v7 =	vld [tilespmem:s31+$0xE440]  }
0xcd: {  	v6 =	vimm.f32 $0.0e+00;
	v4 =	vimm.f32 $0.0e+00;
	v9 =	vld [tilespmem:s31+$0xE450];
	v0 =	vadd.f32 v0, v1  }
0xce: {  	s22 =	simm.s32 $0x400;
	s20 =	simm.s32 $0x80;
	v12 =	vld [tilespmem:s31+$0xE460];
	v5 =	vadd.f32 v2, v1;
	v3 =	vadd.f32 v3, v1;
	v2 =	vimm.f32 $0.0e+00  }
.LBB2_12:
0xcf: {  	p0 =	sne.s32 s22, $0x18E00;
	v13 =	vld [tilespmem:s20+$0xE470];
	v1 =	vadd.f32 v11, v1  }
0xd0: {  	v14 =	vld [tilespmem:s20+$0xE400];
	v6 =	vadd.f32 v10, v6  }
0xd1: {  	v15 =	vld [tilespmem:s20+$0xE410];
	v8 =	vadd.f32 v7, v8  }
.Ltmp5:
0xd2: {  	v11 =	vld [tilespmem:s20+$0xE420];
	v4 =	vadd.f32 v9, v4;
	(pc) =	sbr.rel @p0 .LBB2_12-.Ltmp5, $4  }
0xd3: {  	v10 =	vld [tilespmem:s20+$0xE430];
	v2 =	vadd.f32 v12, v2  }
0xd4: {  	v7 =	vld [tilespmem:s20+$0xE440];
	v0 =	vadd.f32 v13, v0  }
0xd5: {  	v5 =	vadd.f32 v14, v5;
	v9 =	vld [tilespmem:s20+$0xE450]  }
0xd6: {  	v3 =	vadd.f32 v15, v3;
	v12 =	vld [tilespmem:s20+$0xE460];
	s20 =	sshra.s32 s22, $0x2;
	s22 =	sadd.s32 $0x200, s22  }
0xd7: {  	v14 =	vld [tilespmem:s20+$0xE400]  }
0xd8: {  	v15 =	vld [tilespmem:s20+$0xE410]  }
0xd9: {  	v16 =	vld [tilespmem:s20+$0xE420]  }
0xda: {  	v13 =	vld [tilespmem:s20+$0xE470]  }
0xdb: {  	v6 =	vadd.f32 v10, v6;
	v10 =	vld [tilespmem:s20+$0xE460]  }
0xdc: {  	v17 =	vld [tilespmem:s20+$0xE430];
	v1 =	vadd.f32 v11, v1;
	v5 =	vadd.f32 v14, v5  }
0xdd: {  	v18 =	vld [tilespmem:s20+$0xE440];
	v3 =	vadd.f32 v15, v3  }
0xde: {  	v11 =	vld [tilespmem:s20+$0xE450];
	v2 =	vadd.f32 v12, v2;
	v1 =	vadd.f32 v16, v1;
	[tilespmem:$0x1EA00] =	vst v5  }
0xdf: {  	v0 =	vadd.f32 v13, v0;
	[tilespmem:$0x1EA10] =	vst v3  }
0xe0: {  	v7 =	vadd.f32 v7, v8;
	v2 =	vadd.f32 v10, v2;
	[tilespmem:$0x1EA20] =	vst v1  }
0xe1: {  	v4 =	vadd.f32 v9, v4;
	v5 =	vadd.f32 v17, v6;
	[tilespmem:$0x1EA70] =	vst v0  }
0xe2: {  	v3 =	vadd.f32 v18, v7;
	[tilespmem:$0x1EA60] =	vst v2  }
0xe3: {  	v1 =	vadd.f32 v11, v4;
	[tilespmem:$0x1EA30] =	vst v5  }
0xe4: {  	[tilespmem:$0x1EA40] =	vst v3  }
0xe5: {  	[tilespmem:$0x1EA50] =	vst v1  }
0xe6: {  	[tilespmem:s15], [sflag:$0x2] =	stream.indirect.gather [hbm4b:s2+s8], $0x80, s1, s8, $0xb8;
	[tilespmem:$0x1EC00] =	vst v63  }
0xe7: {  	_ = 	snop  }
0xe8: {  	[tilespmem:s17], [sflag:$0x2] =	stream.indirect.gather [hbm4b:s2+s8], $0x80, s12, s8, $0xb8;
	[tilespmem:$0x1EC00] =	vst v63  }
0xe9: {  	_ = 	snop  }
0xea: {  	[tilespmem:s19], [sflag:$0x2] =	stream.indirect.gather [hbm4b:s2+s11], $0x80, s14, s11, $0xb8;
	[tilespmem:$0x1EC00] =	vst v63  }
0xeb: {  	_ =	swait.ge [sflag:s29], $0x6400  }
0xec: {  	[sflag:s29] =	ssyncset.done $0x0  }
0xed: {  	s0 =	simm.s32 $0x0;
	[sflag:s29] =	ssyncadd.s32 $0xFFFF9C00  }
0xee: {  	v0 =	vld [tilespmem:s0+$0x14870]  }
0xef: {  	v2 =	vld [tilespmem:s0+$0x14800]  }
0xf0: {  	v3 =	vld [tilespmem:s0+$0x14810]  }
0xf1: {  	v11 =	vld [tilespmem:s0+$0x14820]  }
0xf2: {  	v10 =	vld [tilespmem:s0+$0x14830]  }
0xf3: {  	v8 =	vimm.f32 $0.0e+00;
	v1 =	vimm.f32 $0.0e+00;
	v7 =	vld [tilespmem:s0+$0x14840]  }
0xf4: {  	v6 =	vimm.f32 $0.0e+00;
	v4 =	vimm.f32 $0.0e+00;
	v9 =	vld [tilespmem:s0+$0x14850];
	v0 =	vadd.f32 v0, v1  }
0xf5: {  	s22 =	simm.s32 $0x400;
	s20 =	simm.s32 $0x80;
	v12 =	vld [tilespmem:s0+$0x14860];
	v5 =	vadd.f32 v2, v1;
	v3 =	vadd.f32 v3, v1;
	v2 =	vimm.f32 $0.0e+00  }
.LBB2_14:
0xf6: {  	p0 =	sne.s32 s22, $0x18E00;
	v13 =	vld [tilespmem:s20+$0x14870];
	v1 =	vadd.f32 v11, v1  }
0xf7: {  	v14 =	vld [tilespmem:s20+$0x14800];
	v6 =	vadd.f32 v10, v6  }
0xf8: {  	v15 =	vld [tilespmem:s20+$0x14810];
	v8 =	vadd.f32 v7, v8  }
.Ltmp6:
0xf9: {  	v11 =	vld [tilespmem:s20+$0x14820];
	v4 =	vadd.f32 v9, v4;
	(pc) =	sbr.rel @p0 .LBB2_14-.Ltmp6, $4  }
0xfa: {  	v10 =	vld [tilespmem:s20+$0x14830];
	v2 =	vadd.f32 v12, v2  }
0xfb: {  	v7 =	vld [tilespmem:s20+$0x14840];
	v0 =	vadd.f32 v13, v0  }
0xfc: {  	v5 =	vadd.f32 v14, v5;
	v9 =	vld [tilespmem:s20+$0x14850]  }
0xfd: {  	v3 =	vadd.f32 v15, v3;
	v12 =	vld [tilespmem:s20+$0x14860];
	s20 =	sshra.s32 s22, $0x2;
	s22 =	sadd.s32 $0x200, s22  }
0xfe: {  	v14 =	vld [tilespmem:s20+$0x14800]  }
0xff: {  	v15 =	vld [tilespmem:s20+$0x14810]  }
0x100: {  	v16 =	vld [tilespmem:s20+$0x14820]  }
0x101: {  	v13 =	vld [tilespmem:s20+$0x14870]  }
0x102: {  	v6 =	vadd.f32 v10, v6;
	v10 =	vld [tilespmem:s20+$0x14860]  }
0x103: {  	v17 =	vld [tilespmem:s20+$0x14830];
	v1 =	vadd.f32 v11, v1;
	v5 =	vadd.f32 v14, v5  }
0x104: {  	v18 =	vld [tilespmem:s20+$0x14840];
	v3 =	vadd.f32 v15, v3  }
0x105: {  	v11 =	vld [tilespmem:s20+$0x14850];
	v2 =	vadd.f32 v12, v2;
	v1 =	vadd.f32 v16, v1;
	[tilespmem:$0x1EA80] =	vst v5  }
0x106: {  	v0 =	vadd.f32 v13, v0;
	[tilespmem:$0x1EA90] =	vst v3  }
0x107: {  	v7 =	vadd.f32 v7, v8;
	v2 =	vadd.f32 v10, v2;
	[tilespmem:$0x1EAA0] =	vst v1  }
0x108: {  	v4 =	vadd.f32 v9, v4;
	v5 =	vadd.f32 v17, v6;
	[tilespmem:$0x1EAF0] =	vst v0  }
0x109: {  	v3 =	vadd.f32 v18, v7;
	[tilespmem:$0x1EAE0] =	vst v2  }
0x10a: {  	v1 =	vadd.f32 v11, v4;
	[tilespmem:$0x1EAB0] =	vst v5  }
0x10b: {  	[tilespmem:$0x1EAC0] =	vst v3  }
0x10c: {  	[tilespmem:$0x1EAD0] =	vst v1  }
0x10d: {  	_ =	swait.ge [sflag:s26], $0x6400  }
0x10e: {  	[sflag:s26] =	ssyncset.done $0x0  }
0x10f: {  	s0 =	simm.s32 $0x0;
	[sflag:s26] =	ssyncadd.s32 $0xFFFF9C00  }
0x110: {  	v0 =	vld [tilespmem:s0+$0x8070]  }
0x111: {  	v2 =	vld [tilespmem:s0+$0x8000]  }
0x112: {  	v3 =	vld [tilespmem:s0+$0x8010]  }
0x113: {  	v11 =	vld [tilespmem:s0+$0x8020]  }
0x114: {  	v10 =	vld [tilespmem:s0+$0x8030]  }
0x115: {  	v8 =	vimm.f32 $0.0e+00;
	v1 =	vimm.f32 $0.0e+00;
	v7 =	vld [tilespmem:s0+$0x8040]  }
0x116: {  	v6 =	vimm.f32 $0.0e+00;
	v4 =	vimm.f32 $0.0e+00;
	v9 =	vld [tilespmem:s0+$0x8050];
	v0 =	vadd.f32 v0, v1  }
0x117: {  	s22 =	simm.s32 $0x400;
	s20 =	simm.s32 $0x80;
	v12 =	vld [tilespmem:s0+$0x8060];
	v5 =	vadd.f32 v2, v1;
	v3 =	vadd.f32 v3, v1;
	v2 =	vimm.f32 $0.0e+00  }
.LBB2_16:
0x118: {  	p0 =	sne.s32 s22, $0x18E00;
	v13 =	vld [tilespmem:s20+$0x8070];
	v1 =	vadd.f32 v11, v1  }
0x119: {  	v14 =	vld [tilespmem:s20+$0x8000];
	v6 =	vadd.f32 v10, v6  }
0x11a: {  	v15 =	vld [tilespmem:s20+$0x8010];
	v8 =	vadd.f32 v7, v8  }
.Ltmp7:
0x11b: {  	v11 =	vld [tilespmem:s20+$0x8020];
	v4 =	vadd.f32 v9, v4;
	(pc) =	sbr.rel @p0 .LBB2_16-.Ltmp7, $4  }
0x11c: {  	v10 =	vld [tilespmem:s20+$0x8030];
	v2 =	vadd.f32 v12, v2  }
0x11d: {  	v7 =	vld [tilespmem:s20+$0x8040];
	v0 =	vadd.f32 v13, v0  }
0x11e: {  	v5 =	vadd.f32 v14, v5;
	v9 =	vld [tilespmem:s20+$0x8050]  }
0x11f: {  	v3 =	vadd.f32 v15, v3;
	v12 =	vld [tilespmem:s20+$0x8060];
	s20 =	sshra.s32 s22, $0x2;
	s22 =	sadd.s32 $0x200, s22  }
0x120: {  	v14 =	vld [tilespmem:s20+$0x8000]  }
0x121: {  	v15 =	vld [tilespmem:s20+$0x8010]  }
0x122: {  	v16 =	vld [tilespmem:s20+$0x8020]  }
0x123: {  	v13 =	vld [tilespmem:s20+$0x8070]  }
0x124: {  	v6 =	vadd.f32 v10, v6;
	v10 =	vld [tilespmem:s20+$0x8060]  }
0x125: {  	v17 =	vld [tilespmem:s20+$0x8030];
	v1 =	vadd.f32 v11, v1;
	v5 =	vadd.f32 v14, v5  }
0x126: {  	v18 =	vld [tilespmem:s20+$0x8040];
	v3 =	vadd.f32 v15, v3  }
0x127: {  	v11 =	vld [tilespmem:s20+$0x8050];
	v2 =	vadd.f32 v12, v2;
	v1 =	vadd.f32 v16, v1;
	[tilespmem:$0x1EB00] =	vst v5  }
0x128: {  	v0 =	vadd.f32 v13, v0;
	[tilespmem:$0x1EB10] =	vst v3  }
0x129: {  	v7 =	vadd.f32 v7, v8;
	v2 =	vadd.f32 v10, v2;
	[tilespmem:$0x1EB20] =	vst v1  }
0x12a: {  	v4 =	vadd.f32 v9, v4;
	v5 =	vadd.f32 v17, v6;
	[tilespmem:$0x1EB70] =	vst v0  }
0x12b: {  	v3 =	vadd.f32 v18, v7;
	[tilespmem:$0x1EB60] =	vst v2  }
0x12c: {  	v1 =	vadd.f32 v11, v4;
	[tilespmem:$0x1EB30] =	vst v5  }
0x12d: {  	[tilespmem:$0x1EB40] =	vst v3  }
0x12e: {  	[tilespmem:$0x1EB50] =	vst v1  }
0x12f: {  	_ =	swait.ge [sflag:s28], $0x6400  }
0x130: {  	[sflag:s28] =	ssyncset.done $0x0  }
0x131: {  	s0 =	simm.s32 $0x0;
	[sflag:s28] =	ssyncadd.s32 $0xFFFF9C00  }
0x132: {  	v0 =	vld [tilespmem:s0+$0xE470]  }
0x133: {  	v2 =	vld [tilespmem:s0+$0xE400]  }
0x134: {  	v3 =	vld [tilespmem:s0+$0xE410]  }
0x135: {  	v11 =	vld [tilespmem:s0+$0xE420]  }
0x136: {  	v10 =	vld [tilespmem:s0+$0xE430]  }
0x137: {  	v8 =	vimm.f32 $0.0e+00;
	v1 =	vimm.f32 $0.0e+00;
	v7 =	vld [tilespmem:s0+$0xE440]  }
0x138: {  	v6 =	vimm.f32 $0.0e+00;
	v4 =	vimm.f32 $0.0e+00;
	v9 =	vld [tilespmem:s0+$0xE450];
	v0 =	vadd.f32 v0, v1  }
0x139: {  	s22 =	simm.s32 $0x400;
	s20 =	simm.s32 $0x80;
	v12 =	vld [tilespmem:s0+$0xE460];
	v5 =	vadd.f32 v2, v1;
	v3 =	vadd.f32 v3, v1;
	v2 =	vimm.f32 $0.0e+00  }
.LBB2_18:
0x13a: {  	p0 =	sne.s32 s22, $0x18E00;
	v13 =	vld [tilespmem:s20+$0xE470];
	v1 =	vadd.f32 v11, v1  }
0x13b: {  	v14 =	vld [tilespmem:s20+$0xE400];
	v6 =	vadd.f32 v10, v6  }
0x13c: {  	v15 =	vld [tilespmem:s20+$0xE410];
	v8 =	vadd.f32 v7, v8  }
.Ltmp8:
0x13d: {  	v11 =	vld [tilespmem:s20+$0xE420];
	v4 =	vadd.f32 v9, v4;
	(pc) =	sbr.rel @p0 .LBB2_18-.Ltmp8, $4  }
0x13e: {  	v10 =	vld [tilespmem:s20+$0xE430];
	v2 =	vadd.f32 v12, v2  }
0x13f: {  	v7 =	vld [tilespmem:s20+$0xE440];
	v0 =	vadd.f32 v13, v0  }
0x140: {  	v5 =	vadd.f32 v14, v5;
	v9 =	vld [tilespmem:s20+$0xE450]  }
0x141: {  	v3 =	vadd.f32 v15, v3;
	v12 =	vld [tilespmem:s20+$0xE460];
	s20 =	sshra.s32 s22, $0x2;
	s22 =	sadd.s32 $0x200, s22  }
0x142: {  	v14 =	vld [tilespmem:s20+$0xE400]  }
0x143: {  	v15 =	vld [tilespmem:s20+$0xE410]  }
0x144: {  	v16 =	vld [tilespmem:s20+$0xE420]  }
0x145: {  	v17 =	vld [tilespmem:s20+$0xE430]  }
0x146: {  	v18 =	vld [tilespmem:s20+$0xE440]  }
0x147: {  	v1 =	vadd.f32 v11, v1;
	v59 =	vld [tilespmem:s20+$0xE450];
	v5 =	vadd.f32 v14, v5  }
0x148: {  	v13 =	vld [tilespmem:s20+$0xE470];
	v6 =	vadd.f32 v10, v6;
	v3 =	vadd.f32 v15, v3  }
0x149: {  	v60 =	vld [tilespmem:s20+$0xE460];
	v7 =	vadd.f32 v7, v8;
	v1 =	vadd.f32 v16, v1;
	[tilespmem:$0x1EB80] =	vst v5  }
0x14a: {  	v4 =	vadd.f32 v9, v4;
	v61 =	vadd.f32 v17, v6;
	[tilespmem:$0x1EB90] =	vst v3  }
0x14b: {  	v62 =	vadd.f32 v18, v7;
	[tilespmem:$0x1EBA0] =	vst v1  }
0x14c: {  	v2 =	vadd.f32 v12, v2;
	v63 =	vadd.f32 v59, v4;
	[tilespmem:$0x1EBB0] =	vst v61  }
0x14d: {  	v0 =	vadd.f32 v13, v0;
	[tilespmem:$0x1EBC0] =	vst v62  }
0x14e: {  	s18 =	sadd.s32 $0x1, s18;
	v2 =	vadd.f32 v60, v2;
	[tilespmem:$0x1EBD0] =	vst v63  }
0x14f: {  	p0 =	sne.s32 s18, s6;
	[tilespmem:$0x1EBF0] =	vst v0  }
.Ltmp9:
0x150: {  	[tilespmem:$0x1EBE0] =	vst v2;
	(pc) =	sbr.rel @p0 .LBB2_1-.Ltmp9, $4  }
0x151: {  	[hbm4b:s5+s3] =	stream.linear.scatter [tilespmem:s16], [sflag:$0x4], $0x4000, $0x38;
	[tilespmem:$0x1EC00] =	vst v63  }
0x152: {  	_ =	swait.ge [sflag:s7], $0x4000  }
0x153: {  	[sflag:s7] =	ssyncset.done $0x0  }
0x154: {  	[sflag:s7] =	ssyncadd.s32 $0xFFFFC000  }
0x155: {  	_ =	sfence.sel $0x180000  }
0x156: {  	[bflag:$0x0] =	sbarrier.arrive $0xFFFF  }
0x157: {  	_ =	strace $0x90000047  }
0x158: {  	s0 =	stileid.u32;
	[bflag:$0x2] =	sbarrier.arrive $0xFFFF  }
0x159: {  	p0 =	sne.s32 s0, $0x0;
	s0 =	rddreg [dreg:$0x3]  }
0x15a: {  	s0 =	sadd.s32 @!p0 $0x100000, s0  }
0x15b: {  	[sflag:s0] =	ssyncadd.tile.s32 @!p0 $0x1;
	_ =	shalt  }
.Lfunc_end2:
_tile_overlayer_lowered:
.L_overlay_start_2:
0x15c: {  	(tag) =	ssettag $0x2  }
0x15d: {  	s0 =	rddreg [dreg:$0x0];
	s2 =	stileid.u32  }
0x15e: {  	s1 =	rddreg [dreg:$0x1];
	p0 =	sne.s32 s2, $0x0  }
0x15f: {  	s3 =	rddreg [dreg:$0x2];
	[bflag:$0x3] =	sbarrier.arrive $0xFFFF;
	s2 =	simm.s32 @!p0 $0x1C04  }
0x160: {  	[timem:s3], [sflag:s2] =	dma.local @!p0 [hbm:s0], s1  }
0x161: {  	s0 =	simm.s32 @!p0 $0x4  }
0x162: {  	_ =	swait.ge @!p0 [sflag:s0], s1  }
0x163: {  	s1 =	ssub.s32 @!p0 $0x0, s1;
	[sflag:s0] =	ssyncset.done @!p0 $0x0  }
0x164: {  	[sflag:s0] =	ssyncadd.s32 @!p0 s1  }
0x165: {  	[bflag:$0x3] =	sbarrier.arrive $0xFFFF  }
0x166: {  	_ =	shalt  }

</sc_bundles>
